<compile_context>
chip_gen: v7x
topology: tpu7x:2x2x1
jax: 0.10.2.dev20260603
libtpu: 0.0.44.dev20260713+nightly
codegen_flags: <defaults>
</compile_context>

<pallas_src>
import functools

import jax
import jax.numpy as jnp
import numpy as np
from jax import lax
from jax.experimental import pallas as pl
from jax.experimental.pallas import tpu as pltpu
from jax.experimental.pallas import tpu_sc as plsc

_N_A = 512
_N_OBS = 16
_K = 5
_N = 2 * _N_A + _N_OBS
_E = _N * _K + _N_OBS


def _knn_body(posT_ref, pos_ref, dists_ref, srcs_ref, poss_ref, agp_ref,
              cnt_ref, d2_ref):
    x_row = posT_ref[0, 0:1, :]
    y_row = posT_ref[0, 1:2, :]
    x_col = pos_ref[0, :, 0:1]
    y_col = pos_ref[0, :, 1:2]
    sq_row = x_row * x_row + y_row * y_row
    sq_col = x_col * x_col + y_col * y_col
    dot = lax.dot(pos_ref[0].astype(jnp.bfloat16),
                  posT_ref[0].astype(jnp.bfloat16),
                  preferred_element_type=jnp.float32)
    d2 = (sq_col + sq_row) - 2.0 * dot
    d2 = jnp.maximum(d2, 0.0)
    rows = lax.broadcasted_iota(jnp.int32, (_N, _N), 0)
    cols = lax.broadcasted_iota(jnp.int32, (_N, _N), 1)
    inf = jnp.float32(jnp.inf)
    d2 = jnp.where(rows == cols, inf, d2)
    d2_ref[...] = d2

    for k in range(_K):
        d2c = d2_ref[...]
        m = jnp.min(d2c, axis=1, keepdims=True)
        am = jnp.min(jnp.where(d2c <= m, cols, _N), axis=1, keepdims=True)
        d2_ref[...] = jnp.where(cols == am, inf, d2c)
        dists_ref[0, :, k : k + 1] = jnp.sqrt(jnp.maximum(m, 1e-12))
        srcs_ref[0, :, k : k + 1] = am

    d2c = d2_ref[...]
    qmask = ((d2c == inf) & (rows != cols)) | (
        (rows == cols + _N_A) & (cols < _N_OBS))
    q = jnp.where(qmask, 1.0, 0.0).astype(jnp.float32)
    lf = jnp.where(rows > cols, 1.0, 0.0).astype(jnp.float32)
    pc = lax.dot(lf.astype(jnp.bfloat16), q.astype(jnp.bfloat16),
                 preferred_element_type=jnp.float32)
    colcount = pc[_N - 1 : _N, :] + q[_N - 1 : _N, :]
    colstart = lax.dot_general(
        colcount, lf, (((1,), (1,)), ((), ())),
        precision=lax.Precision.HIGHEST,
        preferred_element_type=jnp.float32)
    r = pc + colstart
    d2_ref[...] = r
    cnt_ref[0, pl.program_id(0)] = jnp.sum(colcount).astype(jnp.int32)

    for k in range(_K):
        am = srcs_ref[0, :, k : k + 1]
        pos_k = jnp.sum(jnp.where(cols == am, r, 0.0), axis=1, keepdims=True)
        poss_ref[0, :, k : k + 1] = pos_k.astype(jnp.int32)
    rsl = r[_N_A : _N_A + _N_OBS, :]
    m16 = (lax.broadcasted_iota(jnp.int32, (_N_OBS, _N), 0)
           == lax.broadcasted_iota(jnp.int32, (_N_OBS, _N), 1))
    agp = jnp.sum(jnp.where(m16, rsl, 0.0), axis=1, keepdims=True)
    agp_ref[0, :, :] = agp.astype(jnp.int32)


def _knn_pallas(posT, pos):
    Bv = pos.shape[0]
    return pl.pallas_call(
        _knn_body,
        grid=(Bv,),
        in_specs=[
            pl.BlockSpec((1, 2, _N), lambda b: (b, 0, 0)),
            pl.BlockSpec((1, _N, 2), lambda b: (b, 0, 0)),
        ],
        out_specs=[
            pl.BlockSpec((1, _N, _K), lambda b: (b, 0, 0)),
            pl.BlockSpec((1, _N, _K), lambda b: (b, 0, 0)),
            pl.BlockSpec((1, _N, _K), lambda b: (b, 0, 0)),
            pl.BlockSpec((1, _N_OBS, 1), lambda b: (b, 0, 0)),
            pl.BlockSpec((1, Bv), lambda b: (0, 0), memory_space=pltpu.SMEM),
        ],
        out_shape=[
            jax.ShapeDtypeStruct((Bv, _N, _K), jnp.float32),
            jax.ShapeDtypeStruct((Bv, _N, _K), jnp.int32),
            jax.ShapeDtypeStruct((Bv, _N, _K), jnp.int32),
            jax.ShapeDtypeStruct((Bv, _N_OBS, 1), jnp.int32),
            jax.ShapeDtypeStruct((1, Bv), jnp.int32),
        ],
        scratch_shapes=[
            pltpu.VMEM((_N, _N), jnp.float32),
        ],
    )(posT, pos)


def _scatter_sc(pos_all, src_all, ctr):
    Bv = pos_all.shape[0]
    n_workers = 32
    bpw = Bv // n_workers
    n_vregs = _E // 16

    @functools.partial(
        pl.kernel,
        mesh=plsc.VectorSubcoreMesh(core_axis_name="c", subcore_axis_name="s"),
        compiler_params=pltpu.CompilerParams(needs_layout_passes=False),
        out_type=jax.ShapeDtypeStruct((Bv, 2, _E), jnp.int32),
        scratch_types=[
            pltpu.VMEM((_E,), jnp.int32),
            pltpu.VMEM((_E,), jnp.int32),
            pltpu.VMEM((_E,), jnp.int32),
            pltpu.VMEM((_E,), jnp.int32),
            pltpu.VMEM((_E,), jnp.int32),
        ],
    )
    def scatter_kernel(pos_hbm, src_hbm, ctr_hbm, out_hbm,
                       pos_v, src_v, ctr_v, out0_v, out1_v):
        wid = lax.axis_index("s") * 2 + lax.axis_index("c")
        pltpu.sync_copy(ctr_hbm, ctr_v)
        neg1 = jnp.full((16,), -1, jnp.int32)
        for j in range(bpw):
            b = wid * bpw + j
            pltpu.sync_copy(pos_hbm.at[b], pos_v)
            pltpu.sync_copy(src_hbm.at[b], src_v)

            def init_body(i, carry):
                out0_v[pl.ds(i * 16, 16)] = neg1
                out1_v[pl.ds(i * 16, 16)] = neg1
                return carry

            lax.fori_loop(0, n_vregs, init_body, 0)

            def scat_body(i, carry):
                p = pos_v[pl.ds(i * 16, 16)]
                s = src_v[pl.ds(i * 16, 16)]
                c = ctr_v[pl.ds(i * 16, 16)]
                plsc.store_scatter(out0_v, [p], s)
                plsc.store_scatter(out1_v, [p], c)
                return carry

            lax.fori_loop(0, n_vregs, scat_body, 0)
            pltpu.sync_copy(out0_v, out_hbm.at[b, 0])
            pltpu.sync_copy(out1_v, out_hbm.at[b, 1])

    return scatter_kernel(pos_all, src_all, ctr)


def kernel(obs, state):
    Bv = obs.shape[0]
    agent_pos = obs[:, :, 0:2]
    goal_pos = obs[:, :, 4:6]
    pos = jnp.concatenate([agent_pos, goal_pos, state], axis=1)
    posT = pos.transpose(0, 2, 1)

    dists, srcs, poss, ag_pos, counts = _knn_pallas(posT, pos)

    pos_all = jnp.concatenate(
        [poss.reshape(Bv, _N * _K), ag_pos.reshape(Bv, _N_OBS)], axis=1)
    src_all = jnp.concatenate(
        [srcs.reshape(Bv, _N * _K),
         jnp.broadcast_to(jnp.arange(_N_OBS, dtype=jnp.int32)[None, :],
                          (Bv, _N_OBS))], axis=1)
    ctr_np = np.concatenate(
        [np.repeat(np.arange(_N), _K), _N_A + np.arange(_N_OBS)]
    ).astype(np.int32)
    out_edges = _scatter_sc(pos_all, src_all, jnp.asarray(ctr_np))

    x = np.zeros((_N, 4), dtype=np.float32)
    x[:_N_OBS, 0] = 1.0
    x[_N_OBS : _N_OBS + _N_A, 1] = 1.0
    x[_N_OBS + _N_A :, 2] = 1.0
    x_all = jnp.broadcast_to(jnp.asarray(x)[None, :, :], (Bv, _N, 4))
    return (x_all, out_edges, counts.reshape(Bv), dists)

# --- scband reference (transcript-rebuilt; emitter-appended) ---
"""Pipeline reference for scband-e3-critic-70987219468538 (READ-ONLY COPY).

The authoritative reference and input builder live on the scoring server;
editing this copy changes nothing except your own understanding.
"""

import jax, jax.numpy as jnp
import numpy as np

NUM_AGENTS = 512
N_OBSTACLES = 16
K = 5
B = 64


def setup_inputs(seed: int = 0) -> dict:
    key = jax.random.key(seed)
    k1, k2 = jax.random.split(key)
    obs = jax.random.normal(k1, (B, NUM_AGENTS, 18), dtype=jnp.float32)
    state = jax.random.normal(k2, (B, N_OBSTACLES, 2), dtype=jnp.float32)
    return {"obs": obs, "state": state}


def _knn_dists_idx(pos, k):
    # pos: [B, N, 2]. Euclidean knn excluding self (loop=False), like torch_geometric knn_graph.
    sq = jnp.sum(pos * pos, axis=-1)  # [B, N]
    d2 = sq[:, :, None] + sq[:, None, :] - 2.0 * jnp.einsum('bnd,bmd->bnm', pos, pos)
    d2 = jnp.maximum(d2, 0.0)
    N = pos.shape[1]
    d2 = jnp.where(jnp.eye(N, dtype=bool)[None, :, :], jnp.inf, d2)
    negv, idx = jax.lax.top_k(-d2, k)  # k nearest neighbors per node
    dists = jnp.sqrt(jnp.maximum(-negv, 1e-12))
    return dists, idx


def reference(obs, state):
    # obs: [B, N_agents, 18], state: [B, n_obstacles, 2]
    Bv, N_a = obs.shape[0], obs.shape[1]
    n_obs = state.shape[1]
    agent_pos = obs[:, :, :2]
    goal_pos = obs[:, :, 4:6]
    # construct_graph: pos = [agent_pos; goal_pos; obstacle_pos] -> [B, N, 2], N = 2*N_a + n_obs
    pos = jnp.concatenate([agent_pos, goal_pos, state], axis=1)
    N = pos.shape[1]
    dists, idx = _knn_dists_idx(pos, K)
    # knn_graph edge layout: edge_index[0] = neighbor (source), edge_index[1] = center (target)
    centers = jnp.broadcast_to(jnp.repeat(jnp.arange(N), K)[None, :], (Bv, N * K))
    src = idx.reshape(Bv, N * K)
    knn_edges = jnp.stack([src, centers], axis=1)  # [B, 2, N*K]
    # agent-goal edges (faithful to original: arange(n_obstacles) paired with +num_agents)
    ag = jnp.stack([jnp.arange(n_obs), jnp.arange(n_obs) + N_a], axis=0)  # [2, n_obs]
    ag = jnp.broadcast_to(ag[None, :, :], (Bv, 2, n_obs))
    edges = jnp.concatenate([knn_edges, ag], axis=-1)  # [B, 2, N*K + n_obs]
    E_max = edges.shape[-1]
    # torch.unique(edge_index, dim=-1) per batch element (dynamic size -> pad with -1)
    keys = edges[:, 0, :] * N + edges[:, 1, :]  # lexicographic key; entries in [0, N)
    keys_sorted = jnp.sort(keys, axis=-1)
    first = jnp.concatenate(
        [jnp.ones((Bv, 1), dtype=bool), keys_sorted[:, 1:] != keys_sorted[:, :-1]],
        axis=1,
    )
    positions = jnp.where(first, jnp.cumsum(first, axis=1) - 1, E_max)
    r0 = keys_sorted // N
    r1 = keys_sorted % N
    batch_ix = jnp.arange(Bv)[:, None]
    base = jnp.full((Bv, E_max), -1, dtype=edges.dtype)
    out0 = base.at[batch_ix, positions].set(r0, mode='drop')
    out1 = base.at[batch_ix, positions].set(r1, mode='drop')
    out_edges = jnp.stack([out0, out1], axis=1)  # [B, 2, E_max]
    counts = jnp.sum(first, axis=1)
    # node one-hot type features (faithful to original indexing)
    x = np.zeros((N, 4), dtype=np.float32)
    x[:n_obs, 0] = 1.0
    x[n_obs:n_obs + N_a, 1] = 1.0
    x[n_obs + N_a:, 2] = 1.0
    x_all = jnp.broadcast_to(jnp.asarray(x)[None, :, :], (Bv, N, 4))
    return (x_all, jnp.asarray(out_edges), jnp.asarray(counts), dists)

if __name__ == "__main__":
    import jax
    _d = setup_inputs()
    print(jax.jit(kernel)(*tuple(_d.values())))

</pallas_src>

<mosaic_0001>
#map = affine_map<(d0, d1) -> (0, 0)>
#map1 = affine_map<(d0, d1) -> (0)>
#map2 = affine_map<(d0, d1) -> (0, 0, 0)>
module attributes {stable_mosaic.version = 14 : i64} {
  func.func @scatter_kernel(%arg0: i32, %arg1: i32, %arg2: memref<64x5216xi32, #tpu.memory_space<hbm>>, %arg3: memref<64x5216xi32, #tpu.memory_space<hbm>>, %arg4: memref<5216xi32, #tpu.memory_space<hbm>>, %arg5: memref<64x2x5216xi32, #tpu.memory_space<hbm>>, %arg6: memref<5216xi32, #tpu.memory_space<vmem>>, %arg7: memref<5216xi32, #tpu.memory_space<vmem>>, %arg8: memref<5216xi32, #tpu.memory_space<vmem>>, %arg9: memref<5216xi32, #tpu.memory_space<vmem>>, %arg10: memref<5216xi32, #tpu.memory_space<vmem>>) attributes {dimension_semantics = [#tpu.dimension_semantics<core_parallel>, #tpu.dimension_semantics<subcore_parallel>], iteration_bounds = array<i64: 2, 16>, scalar_prefetch = 0 : i64, scratch_operands = 5 : i64, tpu.core_type = #tpu.core_type<sc_vector_subcore>, window_params = [{transform_indices = #map}, {transform_indices = #map}, {transform_indices = #map1}, {transform_indices = #map2}]} {
    %mul3A = arith.constant 2 : i32
    %mul3A_0 = arith.muli %arg1, %mul3A : i32
    %add3A = arith.addi %mul3A_0, %arg0 : i32
    "tpu.region"() ({
      %run_scoped3A_36 = tpu.sem_alloc : memref<!tpu.dma_semaphore, #tpu.memory_space<semaphore_mem>>
      tpu.enqueue_dma source(%arg4 : memref<5216xi32, #tpu.memory_space<hbm>>) target(%arg8 : memref<5216xi32, #tpu.memory_space<vmem>>) target_semaphore(%run_scoped3A_36 : memref<!tpu.dma_semaphore, #tpu.memory_space<semaphore_mem>>)
      tpu.wait_dma2 semaphore(%run_scoped3A_36 : memref<!tpu.dma_semaphore, #tpu.memory_space<semaphore_mem>>) src(%arg4 : memref<5216xi32, #tpu.memory_space<hbm>>) dst(%arg8 : memref<5216xi32, #tpu.memory_space<vmem>>)
      tpu.yield
    }) : () -> ()
    %broadcast_in_dim3A = arith.constant -1 : i32
    %broadcast_in_dim3A_1 = vector.broadcast %broadcast_in_dim3A : i32 to vector<16xi32>
    %mul3A_2 = arith.constant 2 : i32
    %mul3A_3 = arith.muli %add3A, %mul3A_2 : i32
    %add3A_4 = arith.constant 0 : i32
    %add3A_5 = arith.addi %mul3A_3, %add3A_4 : i32
    "tpu.region"() ({
      %run_scoped3A_36 = tpu.sem_alloc : memref<!tpu.dma_semaphore, #tpu.memory_space<semaphore_mem>>
      %dma_start3A = arith.constant 0 : i32
      %dma_start3A_37 = tpu.memref_slice %arg2[%add3A_5, %dma_start3A] : memref<64x5216xi32, #tpu.memory_space<hbm>> -> memref<1x5216xi32, #tpu.memory_space<hbm>>
      %dma_start3A_38 = tpu.memref_squeeze %dma_start3A_37 : memref<1x5216xi32, #tpu.memory_space<hbm>> -> memref<5216xi32, #tpu.memory_space<hbm>>
      %dma_start3A_39 = arith.constant 0 : i32
      %dma_start3A_40 = tpu.memref_slice %arg2[%add3A_5, %dma_start3A_39] : memref<64x5216xi32, #tpu.memory_space<hbm>> -> memref<1x5216xi32, #tpu.memory_space<hbm>>
      %dma_start3A_41 = tpu.memref_squeeze %dma_start3A_40 : memref<1x5216xi32, #tpu.memory_space<hbm>> -> memref<5216xi32, #tpu.memory_space<hbm>>
      tpu.enqueue_dma source(%dma_start3A_41 : memref<5216xi32, #tpu.memory_space<hbm>>) target(%arg6 : memref<5216xi32, #tpu.memory_space<vmem>>) target_semaphore(%run_scoped3A_36 : memref<!tpu.dma_semaphore, #tpu.memory_space<semaphore_mem>>)
      %dma_wait3A = arith.constant 0 : i32
      %dma_wait3A_42 = tpu.memref_slice %arg2[%add3A_5, %dma_wait3A] : memref<64x5216xi32, #tpu.memory_space<hbm>> -> memref<1x5216xi32, #tpu.memory_space<hbm>>
      %dma_wait3A_43 = tpu.memref_squeeze %dma_wait3A_42 : memref<1x5216xi32, #tpu.memory_space<hbm>> -> memref<5216xi32, #tpu.memory_space<hbm>>
      %dma_wait3A_44 = arith.constant 0 : i32
      %dma_wait3A_45 = tpu.memref_slice %arg2[%add3A_5, %dma_wait3A_44] : memref<64x5216xi32, #tpu.memory_space<hbm>> -> memref<1x5216xi32, #tpu.memory_space<hbm>>
      %dma_wait3A_46 = tpu.memref_squeeze %dma_wait3A_45 : memref<1x5216xi32, #tpu.memory_space<hbm>> -> memref<5216xi32, #tpu.memory_space<hbm>>
      tpu.wait_dma2 semaphore(%run_scoped3A_36 : memref<!tpu.dma_semaphore, #tpu.memory_space<semaphore_mem>>) src(%dma_wait3A_46 : memref<5216xi32, #tpu.memory_space<hbm>>) dst(%arg6 : memref<5216xi32, #tpu.memory_space<vmem>>)
      tpu.yield
    }) : () -> ()
    "tpu.region"() ({
      %run_scoped3A_36 = tpu.sem_alloc : memref<!tpu.dma_semaphore, #tpu.memory_space<semaphore_mem>>
      %dma_start3A = arith.constant 0 : i32
      %dma_start3A_37 = tpu.memref_slice %arg3[%add3A_5, %dma_start3A] : memref<64x5216xi32, #tpu.memory_space<hbm>> -> memref<1x5216xi32, #tpu.memory_space<hbm>>
      %dma_start3A_38 = tpu.memref_squeeze %dma_start3A_37 : memref<1x5216xi32, #tpu.memory_space<hbm>> -> memref<5216xi32, #tpu.memory_space<hbm>>
      %dma_start3A_39 = arith.constant 0 : i32
      %dma_start3A_40 = tpu.memref_slice %arg3[%add3A_5, %dma_start3A_39] : memref<64x5216xi32, #tpu.memory_space<hbm>> -> memref<1x5216xi32, #tpu.memory_space<hbm>>
      %dma_start3A_41 = tpu.memref_squeeze %dma_start3A_40 : memref<1x5216xi32, #tpu.memory_space<hbm>> -> memref<5216xi32, #tpu.memory_space<hbm>>
      tpu.enqueue_dma source(%dma_start3A_41 : memref<5216xi32, #tpu.memory_space<hbm>>) target(%arg7 : memref<5216xi32, #tpu.memory_space<vmem>>) target_semaphore(%run_scoped3A_36 : memref<!tpu.dma_semaphore, #tpu.memory_space<semaphore_mem>>)
      %dma_wait3A = arith.constant 0 : i32
      %dma_wait3A_42 = tpu.memref_slice %arg3[%add3A_5, %dma_wait3A] : memref<64x5216xi32, #tpu.memory_space<hbm>> -> memref<1x5216xi32, #tpu.memory_space<hbm>>
      %dma_wait3A_43 = tpu.memref_squeeze %dma_wait3A_42 : memref<1x5216xi32, #tpu.memory_space<hbm>> -> memref<5216xi32, #tpu.memory_space<hbm>>
      %dma_wait3A_44 = arith.constant 0 : i32
      %dma_wait3A_45 = tpu.memref_slice %arg3[%add3A_5, %dma_wait3A_44] : memref<64x5216xi32, #tpu.memory_space<hbm>> -> memref<1x5216xi32, #tpu.memory_space<hbm>>
      %dma_wait3A_46 = tpu.memref_squeeze %dma_wait3A_45 : memref<1x5216xi32, #tpu.memory_space<hbm>> -> memref<5216xi32, #tpu.memory_space<hbm>>
      tpu.wait_dma2 semaphore(%run_scoped3A_36 : memref<!tpu.dma_semaphore, #tpu.memory_space<semaphore_mem>>) src(%dma_wait3A_46 : memref<5216xi32, #tpu.memory_space<hbm>>) dst(%arg7 : memref<5216xi32, #tpu.memory_space<vmem>>)
      tpu.yield
    }) : () -> ()
    %scan3A = arith.constant 0 : i32
    %scan3A_6 = arith.constant 0 : i32
    %scan3A_7 = arith.constant 326 : i32
    %scan3A_8 = arith.addi %scan3A_6, %scan3A_7 : i32
    %scan3A_9 = arith.constant 1 : i32
    scf.for %scan3A_36 = %scan3A_6 to %scan3A_8 step %scan3A_9  : i32 {
      %mul3A_37 = arith.constant 16 : i32
      %mul3A_38 = arith.muli %scan3A_36, %mul3A_37 : i32
      %swap3A = arith.index_cast %mul3A_38 : i32 to index
      %swap3A_39 = tpu.vector_load %arg9[%swap3A] {strides = array<i32>} : memref<5216xi32, #tpu.memory_space<vmem>>, vector<16xi32>,
      tpu.vector_store %arg9[%swap3A], %broadcast_in_dim3A_1 {strides = array<i32>} : memref<5216xi32, #tpu.memory_space<vmem>>, vector<16xi32>,
      %mul3A_40 = arith.constant 16 : i32
      %mul3A_41 = arith.muli %scan3A_36, %mul3A_40 : i32
      %swap3A_42 = arith.index_cast %mul3A_41 : i32 to index
      %swap3A_43 = tpu.vector_load %arg10[%swap3A_42] {strides = array<i32>} : memref<5216xi32, #tpu.memory_space<vmem>>, vector<16xi32>,
      tpu.vector_store %arg10[%swap3A_42], %broadcast_in_dim3A_1 {strides = array<i32>} : memref<5216xi32, #tpu.memory_space<vmem>>, vector<16xi32>,
    }
    %scan3A_10 = arith.constant 326 : i32
    %scan3A_11 = arith.constant 0 : i32
    %scan3A_12 = arith.constant 0 : i32
    %scan3A_13 = arith.constant 326 : i32
    %scan3A_14 = arith.addi %scan3A_12, %scan3A_13 : i32
    %scan3A_15 = arith.constant 1 : i32
    scf.for %scan3A_36 = %scan3A_12 to %scan3A_14 step %scan3A_15  : i32 {
      %mul3A_37 = arith.constant 16 : i32
      %mul3A_38 = arith.muli %scan3A_36, %mul3A_37 : i32
      %get3A = arith.index_cast %mul3A_38 : i32 to index
      %get3A_39 = tpu.vector_load %arg6[%get3A] {strides = array<i32>} : memref<5216xi32, #tpu.memory_space<vmem>>, vector<16xi32>,
      %mul3A_40 = arith.constant 16 : i32
      %mul3A_41 = arith.muli %scan3A_36, %mul3A_40 : i32
      %get3A_42 = arith.index_cast %mul3A_41 : i32 to index
      %get3A_43 = tpu.vector_load %arg7[%get3A_42] {strides = array<i32>} : memref<5216xi32, #tpu.memory_space<vmem>>, vector<16xi32>,
      %mul3A_44 = arith.constant 16 : i32
      %mul3A_45 = arith.muli %scan3A_36, %mul3A_44 : i32
      %get3A_46 = arith.index_cast %mul3A_45 : i32 to index
      %get3A_47 = tpu.vector_load %arg8[%get3A_46] {strides = array<i32>} : memref<5216xi32, #tpu.memory_space<vmem>>, vector<16xi32>,
      tpu.vector_store_idx %arg9[%get3A_39], %get3A_43 : memref<5216xi32, #tpu.memory_space<vmem>>[vector<16xi32>], vector<16xi32>,
      tpu.vector_store_idx %arg10[%get3A_39], %get3A_47 : memref<5216xi32, #tpu.memory_space<vmem>>[vector<16xi32>], vector<16xi32>,
    }
    %scan3A_16 = arith.constant 326 : i32
    %run_scoped3A = arith.constant 0 : i32
    "tpu.region"() ({
      %run_scoped3A_36 = tpu.sem_alloc : memref<!tpu.dma_semaphore, #tpu.memory_space<semaphore_mem>>
      %dma_start3A = arith.constant 0 : i32
      %dma_start3A_37 = tpu.memref_slice %arg5[%add3A_5, %run_scoped3A, %dma_start3A] : memref<64x2x5216xi32, #tpu.memory_space<hbm>> -> memref<1x1x5216xi32, #tpu.memory_space<hbm>>
      %dma_start3A_38 = tpu.memref_squeeze %dma_start3A_37 : memref<1x1x5216xi32, #tpu.memory_space<hbm>> -> memref<5216xi32, #tpu.memory_space<hbm>>
      %dma_start3A_39 = arith.constant 0 : i32
      %dma_start3A_40 = tpu.memref_slice %arg5[%add3A_5, %run_scoped3A, %dma_start3A_39] : memref<64x2x5216xi32, #tpu.memory_space<hbm>> -> memref<1x1x5216xi32, #tpu.memory_space<hbm>>
      %dma_start3A_41 = tpu.memref_squeeze %dma_start3A_40 : memref<1x1x5216xi32, #tpu.memory_space<hbm>> -> memref<5216xi32, #tpu.memory_space<hbm>>
      tpu.enqueue_dma source(%arg9 : memref<5216xi32, #tpu.memory_space<vmem>>) target(%dma_start3A_41 : memref<5216xi32, #tpu.memory_space<hbm>>) target_semaphore(%run_scoped3A_36 : memref<!tpu.dma_semaphore, #tpu.memory_space<semaphore_mem>>)
      %dma_wait3A = arith.constant 0 : i32
      %dma_wait3A_42 = tpu.memref_slice %arg5[%add3A_5, %run_scoped3A, %dma_wait3A] : memref<64x2x5216xi32, #tpu.memory_space<hbm>> -> memref<1x1x5216xi32, #tpu.memory_space<hbm>>
      %dma_wait3A_43 = tpu.memref_squeeze %dma_wait3A_42 : memref<1x1x5216xi32, #tpu.memory_space<hbm>> -> memref<5216xi32, #tpu.memory_space<hbm>>
      %dma_wait3A_44 = arith.constant 0 : i32
      %dma_wait3A_45 = tpu.memref_slice %arg5[%add3A_5, %run_scoped3A, %dma_wait3A_44] : memref<64x2x5216xi32, #tpu.memory_space<hbm>> -> memref<1x1x5216xi32, #tpu.memory_space<hbm>>
      %dma_wait3A_46 = tpu.memref_squeeze %dma_wait3A_45 : memref<1x1x5216xi32, #tpu.memory_space<hbm>> -> memref<5216xi32, #tpu.memory_space<hbm>>
      tpu.wait_dma2 semaphore(%run_scoped3A_36 : memref<!tpu.dma_semaphore, #tpu.memory_space<semaphore_mem>>) src(%arg9 : memref<5216xi32, #tpu.memory_space<vmem>>) dst(%dma_wait3A_46 : memref<5216xi32, #tpu.memory_space<hbm>>)
      tpu.yield
    }) : () -> ()
    %run_scoped3A_17 = arith.constant 1 : i32
    "tpu.region"() ({
      %run_scoped3A_36 = tpu.sem_alloc : memref<!tpu.dma_semaphore, #tpu.memory_space<semaphore_mem>>
      %dma_start3A = arith.constant 0 : i32
      %dma_start3A_37 = tpu.memref_slice %arg5[%add3A_5, %run_scoped3A_17, %dma_start3A] : memref<64x2x5216xi32, #tpu.memory_space<hbm>> -> memref<1x1x5216xi32, #tpu.memory_space<hbm>>
      %dma_start3A_38 = tpu.memref_squeeze %dma_start3A_37 : memref<1x1x5216xi32, #tpu.memory_space<hbm>> -> memref<5216xi32, #tpu.memory_space<hbm>>
      %dma_start3A_39 = arith.constant 0 : i32
      %dma_start3A_40 = tpu.memref_slice %arg5[%add3A_5, %run_scoped3A_17, %dma_start3A_39] : memref<64x2x5216xi32, #tpu.memory_space<hbm>> -> memref<1x1x5216xi32, #tpu.memory_space<hbm>>
      %dma_start3A_41 = tpu.memref_squeeze %dma_start3A_40 : memref<1x1x5216xi32, #tpu.memory_space<hbm>> -> memref<5216xi32, #tpu.memory_space<hbm>>
      tpu.enqueue_dma source(%arg10 : memref<5216xi32, #tpu.memory_space<vmem>>) target(%dma_start3A_41 : memref<5216xi32, #tpu.memory_space<hbm>>) target_semaphore(%run_scoped3A_36 : memref<!tpu.dma_semaphore, #tpu.memory_space<semaphore_mem>>)
      %dma_wait3A = arith.constant 0 : i32
      %dma_wait3A_42 = tpu.memref_slice %arg5[%add3A_5, %run_scoped3A_17, %dma_wait3A] : memref<64x2x5216xi32, #tpu.memory_space<hbm>> -> memref<1x1x5216xi32, #tpu.memory_space<hbm>>
      %dma_wait3A_43 = tpu.memref_squeeze %dma_wait3A_42 : memref<1x1x5216xi32, #tpu.memory_space<hbm>> -> memref<5216xi32, #tpu.memory_space<hbm>>
      %dma_wait3A_44 = arith.constant 0 : i32
      %dma_wait3A_45 = tpu.memref_slice %arg5[%add3A_5, %run_scoped3A_17, %dma_wait3A_44] : memref<64x2x5216xi32, #tpu.memory_space<hbm>> -> memref<1x1x5216xi32, #tpu.memory_space<hbm>>
      %dma_wait3A_46 = tpu.memref_squeeze %dma_wait3A_45 : memref<1x1x5216xi32, #tpu.memory_space<hbm>> -> memref<5216xi32, #tpu.memory_space<hbm>>
      tpu.wait_dma2 semaphore(%run_scoped3A_36 : memref<!tpu.dma_semaphore, #tpu.memory_space<semaphore_mem>>) src(%arg10 : memref<5216xi32, #tpu.memory_space<vmem>>) dst(%dma_wait3A_46 : memref<5216xi32, #tpu.memory_space<hbm>>)
      tpu.yield
    }) : () -> ()
    %mul3A_18 = arith.constant 2 : i32
    %mul3A_19 = arith.muli %add3A, %mul3A_18 : i32
    %add3A_20 = arith.constant 1 : i32
    %add3A_21 = arith.addi %mul3A_19, %add3A_20 : i32
    "tpu.region"() ({
      %run_scoped3A_36 = tpu.sem_alloc : memref<!tpu.dma_semaphore, #tpu.memory_space<semaphore_mem>>
      %dma_start3A = arith.constant 0 : i32
      %dma_start3A_37 = tpu.memref_slice %arg2[%add3A_21, %dma_start3A] : memref<64x5216xi32, #tpu.memory_space<hbm>> -> memref<1x5216xi32, #tpu.memory_space<hbm>>
      %dma_start3A_38 = tpu.memref_squeeze %dma_start3A_37 : memref<1x5216xi32, #tpu.memory_space<hbm>> -> memref<5216xi32, #tpu.memory_space<hbm>>
      %dma_start3A_39 = arith.constant 0 : i32
      %dma_start3A_40 = tpu.memref_slice %arg2[%add3A_21, %dma_start3A_39] : memref<64x5216xi32, #tpu.memory_space<hbm>> -> memref<1x5216xi32, #tpu.memory_space<hbm>>
      %dma_start3A_41 = tpu.memref_squeeze %dma_start3A_40 : memref<1x5216xi32, #tpu.memory_space<hbm>> -> memref<5216xi32, #tpu.memory_space<hbm>>
      tpu.enqueue_dma source(%dma_start3A_41 : memref<5216xi32, #tpu.memory_space<hbm>>) target(%arg6 : memref<5216xi32, #tpu.memory_space<vmem>>) target_semaphore(%run_scoped3A_36 : memref<!tpu.dma_semaphore, #tpu.memory_space<semaphore_mem>>)
      %dma_wait3A = arith.constant 0 : i32
      %dma_wait3A_42 = tpu.memref_slice %arg2[%add3A_21, %dma_wait3A] : memref<64x5216xi32, #tpu.memory_space<hbm>> -> memref<1x5216xi32, #tpu.memory_space<hbm>>
      %dma_wait3A_43 = tpu.memref_squeeze %dma_wait3A_42 : memref<1x5216xi32, #tpu.memory_space<hbm>> -> memref<5216xi32, #tpu.memory_space<hbm>>
      %dma_wait3A_44 = arith.constant 0 : i32
      %dma_wait3A_45 = tpu.memref_slice %arg2[%add3A_21, %dma_wait3A_44] : memref<64x5216xi32, #tpu.memory_space<hbm>> -> memref<1x5216xi32, #tpu.memory_space<hbm>>
      %dma_wait3A_46 = tpu.memref_squeeze %dma_wait3A_45 : memref<1x5216xi32, #tpu.memory_space<hbm>> -> memref<5216xi32, #tpu.memory_space<hbm>>
      tpu.wait_dma2 semaphore(%run_scoped3A_36 : memref<!tpu.dma_semaphore, #tpu.memory_space<semaphore_mem>>) src(%dma_wait3A_46 : memref<5216xi32, #tpu.memory_space<hbm>>) dst(%arg6 : memref<5216xi32, #tpu.memory_space<vmem>>)
      tpu.yield
    }) : () -> ()
    "tpu.region"() ({
      %run_scoped3A_36 = tpu.sem_alloc : memref<!tpu.dma_semaphore, #tpu.memory_space<semaphore_mem>>
      %dma_start3A = arith.constant 0 : i32
      %dma_start3A_37 = tpu.memref_slice %arg3[%add3A_21, %dma_start3A] : memref<64x5216xi32, #tpu.memory_space<hbm>> -> memref<1x5216xi32, #tpu.memory_space<hbm>>
      %dma_start3A_38 = tpu.memref_squeeze %dma_start3A_37 : memref<1x5216xi32, #tpu.memory_space<hbm>> -> memref<5216xi32, #tpu.memory_space<hbm>>
      %dma_start3A_39 = arith.constant 0 : i32
      %dma_start3A_40 = tpu.memref_slice %arg3[%add3A_21, %dma_start3A_39] : memref<64x5216xi32, #tpu.memory_space<hbm>> -> memref<1x5216xi32, #tpu.memory_space<hbm>>
      %dma_start3A_41 = tpu.memref_squeeze %dma_start3A_40 : memref<1x5216xi32, #tpu.memory_space<hbm>> -> memref<5216xi32, #tpu.memory_space<hbm>>
      tpu.enqueue_dma source(%dma_start3A_41 : memref<5216xi32, #tpu.memory_space<hbm>>) target(%arg7 : memref<5216xi32, #tpu.memory_space<vmem>>) target_semaphore(%run_scoped3A_36 : memref<!tpu.dma_semaphore, #tpu.memory_space<semaphore_mem>>)
      %dma_wait3A = arith.constant 0 : i32
      %dma_wait3A_42 = tpu.memref_slice %arg3[%add3A_21, %dma_wait3A] : memref<64x5216xi32, #tpu.memory_space<hbm>> -> memref<1x5216xi32, #tpu.memory_space<hbm>>
      %dma_wait3A_43 = tpu.memref_squeeze %dma_wait3A_42 : memref<1x5216xi32, #tpu.memory_space<hbm>> -> memref<5216xi32, #tpu.memory_space<hbm>>
      %dma_wait3A_44 = arith.constant 0 : i32
      %dma_wait3A_45 = tpu.memref_slice %arg3[%add3A_21, %dma_wait3A_44] : memref<64x5216xi32, #tpu.memory_space<hbm>> -> memref<1x5216xi32, #tpu.memory_space<hbm>>
      %dma_wait3A_46 = tpu.memref_squeeze %dma_wait3A_45 : memref<1x5216xi32, #tpu.memory_space<hbm>> -> memref<5216xi32, #tpu.memory_space<hbm>>
      tpu.wait_dma2 semaphore(%run_scoped3A_36 : memref<!tpu.dma_semaphore, #tpu.memory_space<semaphore_mem>>) src(%dma_wait3A_46 : memref<5216xi32, #tpu.memory_space<hbm>>) dst(%arg7 : memref<5216xi32, #tpu.memory_space<vmem>>)
      tpu.yield
    }) : () -> ()
    %scan3A_22 = arith.constant 0 : i32
    %scan3A_23 = arith.constant 0 : i32
    %scan3A_24 = arith.constant 326 : i32
    %scan3A_25 = arith.addi %scan3A_23, %scan3A_24 : i32
    %scan3A_26 = arith.constant 1 : i32
    scf.for %scan3A_36 = %scan3A_23 to %scan3A_25 step %scan3A_26  : i32 {
      %mul3A_37 = arith.constant 16 : i32
      %mul3A_38 = arith.muli %scan3A_36, %mul3A_37 : i32
      %swap3A = arith.index_cast %mul3A_38 : i32 to index
      %swap3A_39 = tpu.vector_load %arg9[%swap3A] {strides = array<i32>} : memref<5216xi32, #tpu.memory_space<vmem>>, vector<16xi32>,
      tpu.vector_store %arg9[%swap3A], %broadcast_in_dim3A_1 {strides = array<i32>} : memref<5216xi32, #tpu.memory_space<vmem>>, vector<16xi32>,
      %mul3A_40 = arith.constant 16 : i32
      %mul3A_41 = arith.muli %scan3A_36, %mul3A_40 : i32
      %swap3A_42 = arith.index_cast %mul3A_41 : i32 to index
      %swap3A_43 = tpu.vector_load %arg10[%swap3A_42] {strides = array<i32>} : memref<5216xi32, #tpu.memory_space<vmem>>, vector<16xi32>,
      tpu.vector_store %arg10[%swap3A_42], %broadcast_in_dim3A_1 {strides = array<i32>} : memref<5216xi32, #tpu.memory_space<vmem>>, vector<16xi32>,
    }
    %scan3A_27 = arith.constant 326 : i32
    %scan3A_28 = arith.constant 0 : i32
    %scan3A_29 = arith.constant 0 : i32
    %scan3A_30 = arith.constant 326 : i32
    %scan3A_31 = arith.addi %scan3A_29, %scan3A_30 : i32
    %scan3A_32 = arith.constant 1 : i32
    scf.for %scan3A_36 = %scan3A_29 to %scan3A_31 step %scan3A_32  : i32 {
      %mul3A_37 = arith.constant 16 : i32
      %mul3A_38 = arith.muli %scan3A_36, %mul3A_37 : i32
      %get3A = arith.index_cast %mul3A_38 : i32 to index
      %get3A_39 = tpu.vector_load %arg6[%get3A] {strides = array<i32>} : memref<5216xi32, #tpu.memory_space<vmem>>, vector<16xi32>,
      %mul3A_40 = arith.constant 16 : i32
      %mul3A_41 = arith.muli %scan3A_36, %mul3A_40 : i32
      %get3A_42 = arith.index_cast %mul3A_41 : i32 to index
      %get3A_43 = tpu.vector_load %arg7[%get3A_42] {strides = array<i32>} : memref<5216xi32, #tpu.memory_space<vmem>>, vector<16xi32>,
      %mul3A_44 = arith.constant 16 : i32
      %mul3A_45 = arith.muli %scan3A_36, %mul3A_44 : i32
      %get3A_46 = arith.index_cast %mul3A_45 : i32 to index
      %get3A_47 = tpu.vector_load %arg8[%get3A_46] {strides = array<i32>} : memref<5216xi32, #tpu.memory_space<vmem>>, vector<16xi32>,
      tpu.vector_store_idx %arg9[%get3A_39], %get3A_43 : memref<5216xi32, #tpu.memory_space<vmem>>[vector<16xi32>], vector<16xi32>,
      tpu.vector_store_idx %arg10[%get3A_39], %get3A_47 : memref<5216xi32, #tpu.memory_space<vmem>>[vector<16xi32>], vector<16xi32>,
    }
    %scan3A_33 = arith.constant 326 : i32
    %run_scoped3A_34 = arith.constant 0 : i32
    "tpu.region"() ({
      %run_scoped3A_36 = tpu.sem_alloc : memref<!tpu.dma_semaphore, #tpu.memory_space<semaphore_mem>>
      %dma_start3A = arith.constant 0 : i32
      %dma_start3A_37 = tpu.memref_slice %arg5[%add3A_21, %run_scoped3A_34, %dma_start3A] : memref<64x2x5216xi32, #tpu.memory_space<hbm>> -> memref<1x1x5216xi32, #tpu.memory_space<hbm>>
      %dma_start3A_38 = tpu.memref_squeeze %dma_start3A_37 : memref<1x1x5216xi32, #tpu.memory_space<hbm>> -> memref<5216xi32, #tpu.memory_space<hbm>>
      %dma_start3A_39 = arith.constant 0 : i32
      %dma_start3A_40 = tpu.memref_slice %arg5[%add3A_21, %run_scoped3A_34, %dma_start3A_39] : memref<64x2x5216xi32, #tpu.memory_space<hbm>> -> memref<1x1x5216xi32, #tpu.memory_space<hbm>>
      %dma_start3A_41 = tpu.memref_squeeze %dma_start3A_40 : memref<1x1x5216xi32, #tpu.memory_space<hbm>> -> memref<5216xi32, #tpu.memory_space<hbm>>
      tpu.enqueue_dma source(%arg9 : memref<5216xi32, #tpu.memory_space<vmem>>) target(%dma_start3A_41 : memref<5216xi32, #tpu.memory_space<hbm>>) target_semaphore(%run_scoped3A_36 : memref<!tpu.dma_semaphore, #tpu.memory_space<semaphore_mem>>)
      %dma_wait3A = arith.constant 0 : i32
      %dma_wait3A_42 = tpu.memref_slice %arg5[%add3A_21, %run_scoped3A_34, %dma_wait3A] : memref<64x2x5216xi32, #tpu.memory_space<hbm>> -> memref<1x1x5216xi32, #tpu.memory_space<hbm>>
      %dma_wait3A_43 = tpu.memref_squeeze %dma_wait3A_42 : memref<1x1x5216xi32, #tpu.memory_space<hbm>> -> memref<5216xi32, #tpu.memory_space<hbm>>
      %dma_wait3A_44 = arith.constant 0 : i32
      %dma_wait3A_45 = tpu.memref_slice %arg5[%add3A_21, %run_scoped3A_34, %dma_wait3A_44] : memref<64x2x5216xi32, #tpu.memory_space<hbm>> -> memref<1x1x5216xi32, #tpu.memory_space<hbm>>
      %dma_wait3A_46 = tpu.memref_squeeze %dma_wait3A_45 : memref<1x1x5216xi32, #tpu.memory_space<hbm>> -> memref<5216xi32, #tpu.memory_space<hbm>>
      tpu.wait_dma2 semaphore(%run_scoped3A_36 : memref<!tpu.dma_semaphore, #tpu.memory_space<semaphore_mem>>) src(%arg9 : memref<5216xi32, #tpu.memory_space<vmem>>) dst(%dma_wait3A_46 : memref<5216xi32, #tpu.memory_space<hbm>>)
      tpu.yield
    }) : () -> ()
    %run_scoped3A_35 = arith.constant 1 : i32
    "tpu.region"() ({
      %run_scoped3A_36 = tpu.sem_alloc : memref<!tpu.dma_semaphore, #tpu.memory_space<semaphore_mem>>
      %dma_start3A = arith.constant 0 : i32
      %dma_start3A_37 = tpu.memref_slice %arg5[%add3A_21, %run_scoped3A_35, %dma_start3A] : memref<64x2x5216xi32, #tpu.memory_space<hbm>> -> memref<1x1x5216xi32, #tpu.memory_space<hbm>>
      %dma_start3A_38 = tpu.memref_squeeze %dma_start3A_37 : memref<1x1x5216xi32, #tpu.memory_space<hbm>> -> memref<5216xi32, #tpu.memory_space<hbm>>
      %dma_start3A_39 = arith.constant 0 : i32
      %dma_start3A_40 = tpu.memref_slice %arg5[%add3A_21, %run_scoped3A_35, %dma_start3A_39] : memref<64x2x5216xi32, #tpu.memory_space<hbm>> -> memref<1x1x5216xi32, #tpu.memory_space<hbm>>
      %dma_start3A_41 = tpu.memref_squeeze %dma_start3A_40 : memref<1x1x5216xi32, #tpu.memory_space<hbm>> -> memref<5216xi32, #tpu.memory_space<hbm>>
      tpu.enqueue_dma source(%arg10 : memref<5216xi32, #tpu.memory_space<vmem>>) target(%dma_start3A_41 : memref<5216xi32, #tpu.memory_space<hbm>>) target_semaphore(%run_scoped3A_36 : memref<!tpu.dma_semaphore, #tpu.memory_space<semaphore_mem>>)
      %dma_wait3A = arith.constant 0 : i32
      %dma_wait3A_42 = tpu.memref_slice %arg5[%add3A_21, %run_scoped3A_35, %dma_wait3A] : memref<64x2x5216xi32, #tpu.memory_space<hbm>> -> memref<1x1x5216xi32, #tpu.memory_space<hbm>>
      %dma_wait3A_43 = tpu.memref_squeeze %dma_wait3A_42 : memref<1x1x5216xi32, #tpu.memory_space<hbm>> -> memref<5216xi32, #tpu.memory_space<hbm>>
      %dma_wait3A_44 = arith.constant 0 : i32
      %dma_wait3A_45 = tpu.memref_slice %arg5[%add3A_21, %run_scoped3A_35, %dma_wait3A_44] : memref<64x2x5216xi32, #tpu.memory_space<hbm>> -> memref<1x1x5216xi32, #tpu.memory_space<hbm>>
      %dma_wait3A_46 = tpu.memref_squeeze %dma_wait3A_45 : memref<1x1x5216xi32, #tpu.memory_space<hbm>> -> memref<5216xi32, #tpu.memory_space<hbm>>
      tpu.wait_dma2 semaphore(%run_scoped3A_36 : memref<!tpu.dma_semaphore, #tpu.memory_space<semaphore_mem>>) src(%arg10 : memref<5216xi32, #tpu.memory_space<vmem>>) dst(%dma_wait3A_46 : memref<5216xi32, #tpu.memory_space<hbm>>)
      tpu.yield
    }) : () -> ()
    return
  }
}

module attributes {stable_mosaic.version = 14 : i64} {
  func.func @_knn_body(%arg0: i32, %arg1: memref<1x2x1040xf32, #tpu.memory_space<vmem>>, %arg2: memref<1x1040x2xf32, #tpu.memory_space<vmem>>, %arg3: memref<1x1040x5xf32, #tpu.memory_space<vmem>>, %arg4: memref<1x1040x5xi32, #tpu.memory_space<vmem>>, %arg5: memref<1x1040x5xi32, #tpu.memory_space<vmem>>, %arg6: memref<1x16x1xi32, #tpu.memory_space<vmem>>, %arg7: memref<1x64xi32, #tpu.memory_space<smem>>, %arg8: memref<1040x1040xf32, #tpu.memory_space<vmem>>) attributes {dimension_semantics = [#tpu.dimension_semantics<arbitrary>], iteration_bounds = array<i64: 64>, scalar_prefetch = 0 : i64, scratch_operands = 1 : i64, tpu.core_type = #tpu.core_type<tc>, window_params = [{transform_indices = @transform_0, window_bounds = array<i64: 1, 2, 1040>}, {transform_indices = @transform_1, window_bounds = array<i64: 1, 1040, 2>}, {transform_indices = @transform_2, window_bounds = array<i64: 1, 1040, 5>}, {transform_indices = @transform_3, window_bounds = array<i64: 1, 1040, 5>}, {transform_indices = @transform_4, window_bounds = array<i64: 1, 1040, 5>}, {transform_indices = @transform_5, window_bounds = array<i64: 1, 16, 1>}, {transform_indices = @transform_6, window_bounds = array<i64: 1, 64>}]} {
    %get3A = arith.constant 0 : index
    %get3A_0 = arith.constant 0 : index
    %get3A_1 = arith.constant 0 : index
    %get3A_2 = vector.load %arg1[%get3A, %get3A_0, %get3A_1] : memref<1x2x1040xf32, #tpu.memory_space<vmem>>, vector<1x1x1040xf32>
    %get3A_3 = vector.shape_cast %get3A_2 : vector<1x1x1040xf32> to vector<1x1040xf32>
    %get3A_4 = arith.constant 0 : index
    %get3A_5 = arith.constant 1 : index
    %get3A_6 = arith.constant 0 : index
    %get3A_7 = vector.load %arg1[%get3A_4, %get3A_5, %get3A_6] : memref<1x2x1040xf32, #tpu.memory_space<vmem>>, vector<1x1x1040xf32>
    %get3A_8 = vector.shape_cast %get3A_7 : vector<1x1x1040xf32> to vector<1x1040xf32>
    %get3A_9 = arith.constant 0 : index
    %get3A_10 = arith.constant 0 : index
    %get3A_11 = arith.constant 0 : index
    %get3A_12 = vector.load %arg2[%get3A_9, %get3A_10, %get3A_11] : memref<1x1040x2xf32, #tpu.memory_space<vmem>>, vector<1x1040x1xf32>
    %get3A_13 = vector.shape_cast %get3A_12 : vector<1x1040x1xf32> to vector<1040x1xf32>
    %get3A_14 = arith.constant 0 : index
    %get3A_15 = arith.constant 0 : index
    %get3A_16 = arith.constant 1 : index
    %get3A_17 = vector.load %arg2[%get3A_14, %get3A_15, %get3A_16] : memref<1x1040x2xf32, #tpu.memory_space<vmem>>, vector<1x1040x1xf32>
    %get3A_18 = vector.shape_cast %get3A_17 : vector<1x1040x1xf32> to vector<1040x1xf32>
    %mul3A = arith.mulf %get3A_3, %get3A_3 : vector<1x1040xf32>
    %mul3A_19 = arith.mulf %get3A_8, %get3A_8 : vector<1x1040xf32>
    %add3A = arith.addf %mul3A, %mul3A_19 : vector<1x1040xf32>
    %mul3A_20 = arith.mulf %get3A_13, %get3A_13 : vector<1040x1xf32>
    %mul3A_21 = arith.mulf %get3A_18, %get3A_18 : vector<1040x1xf32>
    %add3A_22 = arith.addf %mul3A_20, %mul3A_21 : vector<1040x1xf32>
    %get3A_23 = arith.constant 0 : index
    %get3A_24 = arith.constant 0 : index
    %get3A_25 = arith.constant 0 : index
    %get3A_26 = vector.load %arg2[%get3A_23, %get3A_24, %get3A_25] : memref<1x1040x2xf32, #tpu.memory_space<vmem>>, vector<1x1040x2xf32>
    %get3A_27 = vector.shape_cast %get3A_26 : vector<1x1040x2xf32> to vector<1040x2xf32>
    %convert_element_type3A = arith.truncf %get3A_27 : vector<1040x2xf32> to vector<1040x2xbf16>
    %get3A_28 = arith.constant 0 : index
    %get3A_29 = arith.constant 0 : index
    %get3A_30 = arith.constant 0 : index
    %get3A_31 = vector.load %arg1[%get3A_28, %get3A_29, %get3A_30] : memref<1x2x1040xf32, #tpu.memory_space<vmem>>, vector<1x2x1040xf32>
    %get3A_32 = vector.shape_cast %get3A_31 : vector<1x2x1040xf32> to vector<2x1040xf32>
    %convert_element_type3A_33 = arith.truncf %get3A_32 : vector<2x1040xf32> to vector<2x1040xbf16>
    %dot_general3A = arith.constant dense<0.000000e+00> : vector<1040x1040xf32>
    %dot_general3A_34 = tpu.matmul %convert_element_type3A, %convert_element_type3A_33, %dot_general3A {dimension_numbers = #tpu.dot_dimension_numbers<[1], [0], [0], [1], [0, 0, 1, 1], [], []>, transpose_lhs_hint = false} : vector<1040x2xbf16>, vector<2x1040xbf16>, vector<1040x1040xf32> -> vector<1040x1040xf32>
    %add3A_35 = vector.broadcast %add3A_22 : vector<1040x1xf32> to vector<1040x1040xf32>
    %add3A_36 = vector.broadcast %add3A : vector<1x1040xf32> to vector<1040x1040xf32>
    %add3A_37 = arith.addf %add3A_35, %add3A_36 : vector<1040x1040xf32>
    %mul3A_38 = arith.constant 2.000000e+00 : f32
    %mul3A_39 = vector.broadcast %mul3A_38 : f32 to vector<1040x1040xf32>
    %mul3A_40 = arith.mulf %mul3A_39, %dot_general3A_34 : vector<1040x1040xf32>
    %sub3A = arith.subf %add3A_37, %mul3A_40 : vector<1040x1040xf32>
    %max3A = arith.constant 0.000000e+00 : f32
    %max3A_41 = vector.broadcast %max3A : f32 to vector<1040x1040xf32>
    %max3A_42 = arith.maximumf %sub3A, %max3A_41 : vector<1040x1040xf32>
    %iota3A = tpu.iota {dimensions = array<i32: 0>} : vector<1040x1040xi32>
    %iota3A_43 = tpu.iota {dimensions = array<i32: 1>} : vector<1040x1040xi32>
    %eq3A = arith.cmpi eq, %iota3A, %iota3A_43 : vector<1040x1040xi32>
    %jit3A = arith.constant 0x7F800000 : f32
    %broadcast_in_dim3A = vector.broadcast %jit3A : f32 to vector<1040x1040xf32>
    %select_n3A = arith.select %eq3A, %broadcast_in_dim3A, %max3A_42 : vector<1040x1040xi1>, vector<1040x1040xf32>
    %swap3A = arith.constant 0 : index
    %swap3A_44 = arith.constant 0 : index
    %swap3A_45 = vector.load %arg8[%swap3A, %swap3A_44] : memref<1040x1040xf32, #tpu.memory_space<vmem>>, vector<1040x1040xf32>
    tpu.vector_store %arg8[%swap3A, %swap3A_44], %select_n3A {strides = array<i32>} : memref<1040x1040xf32, #tpu.memory_space<vmem>>, vector<1040x1040xf32>,
    %get3A_46 = arith.constant 0 : index
    %get3A_47 = arith.constant 0 : index
    %get3A_48 = vector.load %arg8[%get3A_46, %get3A_47] : memref<1040x1040xf32, #tpu.memory_space<vmem>>, vector<1040x1040xf32>
    %reduce_min3A = arith.constant dense<0x7F800000> : vector<1040xf32>
    %reduce_min3A_49 = vector.multi_reduction <minimumf>, %get3A_48, %reduce_min3A [1] : vector<1040x1040xf32> to vector<1040xf32>
    %broadcast_in_dim3A_50 = vector.shape_cast %reduce_min3A_49 : vector<1040xf32> to vector<1040x1xf32>
    %le3A = vector.broadcast %broadcast_in_dim3A_50 : vector<1040x1xf32> to vector<1040x1040xf32>
    %le3A_51 = arith.cmpf ole, %get3A_48, %le3A : vector<1040x1040xf32>
    %jit3A_52 = arith.constant 1040 : i32
    %broadcast_in_dim3A_53 = vector.broadcast %jit3A_52 : i32 to vector<1040x1040xi32>
    %select_n3A_54 = arith.select %le3A_51, %iota3A_43, %broadcast_in_dim3A_53 : vector<1040x1040xi1>, vector<1040x1040xi32>
    %reduce_min3A_55 = arith.constant dense<2147483647> : vector<1040xi32>
    %reduce_min3A_56 = vector.multi_reduction <minsi>, %select_n3A_54, %reduce_min3A_55 [1] : vector<1040x1040xi32> to vector<1040xi32>
    %broadcast_in_dim3A_57 = vector.shape_cast %reduce_min3A_56 : vector<1040xi32> to vector<1040x1xi32>
    %eq3A_58 = vector.broadcast %broadcast_in_dim3A_57 : vector<1040x1xi32> to vector<1040x1040xi32>
    %eq3A_59 = arith.cmpi eq, %iota3A_43, %eq3A_58 : vector<1040x1040xi32>
    %jit3A_60 = arith.constant 0x7F800000 : f32
    %broadcast_in_dim3A_61 = vector.broadcast %jit3A_60 : f32 to vector<1040x1040xf32>
    %select_n3A_62 = arith.select %eq3A_59, %broadcast_in_dim3A_61, %get3A_48 : vector<1040x1040xi1>, vector<1040x1040xf32>
    %swap3A_63 = arith.constant 0 : index
    %swap3A_64 = arith.constant 0 : index
    %swap3A_65 = vector.load %arg8[%swap3A_63, %swap3A_64] : memref<1040x1040xf32, #tpu.memory_space<vmem>>, vector<1040x1040xf32>
    tpu.vector_store %arg8[%swap3A_63, %swap3A_64], %select_n3A_62 {strides = array<i32>} : memref<1040x1040xf32, #tpu.memory_space<vmem>>, vector<1040x1040xf32>,
    %max3A_66 = arith.constant 9.99999996E-13 : f32
    %max3A_67 = vector.broadcast %max3A_66 : f32 to vector<1040x1xf32>
    %max3A_68 = arith.maximumf %broadcast_in_dim3A_50, %max3A_67 : vector<1040x1xf32>
    %sqrt3A = math.sqrt %max3A_68 : vector<1040x1xf32>
    %swap3A_69 = arith.constant 0 : index
    %swap3A_70 = arith.constant 0 : index
    %swap3A_71 = arith.constant 0 : index
    %swap3A_72 = vector.load %arg3[%swap3A_69, %swap3A_70, %swap3A_71] : memref<1x1040x5xf32, #tpu.memory_space<vmem>>, vector<1x1040x1xf32>
    %swap3A_73 = vector.shape_cast %swap3A_72 : vector<1x1040x1xf32> to vector<1040x1xf32>
    %swap3A_74 = vector.shape_cast %sqrt3A : vector<1040x1xf32> to vector<1x1040x1xf32>
    tpu.vector_store %arg3[%swap3A_69, %swap3A_70, %swap3A_71], %swap3A_74 {strides = array<i32>} : memref<1x1040x5xf32, #tpu.memory_space<vmem>>, vector<1x1040x1xf32>,
    %swap3A_75 = arith.constant 0 : index
    %swap3A_76 = arith.constant 0 : index
    %swap3A_77 = arith.constant 0 : index
    %swap3A_78 = vector.load %arg4[%swap3A_75, %swap3A_76, %swap3A_77] : memref<1x1040x5xi32, #tpu.memory_space<vmem>>, vector<1x1040x1xi32>
    %swap3A_79 = vector.shape_cast %swap3A_78 : vector<1x1040x1xi32> to vector<1040x1xi32>
    %swap3A_80 = vector.shape_cast %broadcast_in_dim3A_57 : vector<1040x1xi32> to vector<1x1040x1xi32>
    tpu.vector_store %arg4[%swap3A_75, %swap3A_76, %swap3A_77], %swap3A_80 {strides = array<i32>} : memref<1x1040x5xi32, #tpu.memory_space<vmem>>, vector<1x1040x1xi32>,
    %get3A_81 = arith.constant 0 : index
    %get3A_82 = arith.constant 0 : index
    %get3A_83 = vector.load %arg8[%get3A_81, %get3A_82] : memref<1040x1040xf32, #tpu.memory_space<vmem>>, vector<1040x1040xf32>
    %reduce_min3A_84 = arith.constant dense<0x7F800000> : vector<1040xf32>
    %reduce_min3A_85 = vector.multi_reduction <minimumf>, %get3A_83, %reduce_min3A_84 [1] : vector<1040x1040xf32> to vector<1040xf32>
    %broadcast_in_dim3A_86 = vector.shape_cast %reduce_min3A_85 : vector<1040xf32> to vector<1040x1xf32>
    %le3A_87 = vector.broadcast %broadcast_in_dim3A_86 : vector<1040x1xf32> to vector<1040x1040xf32>
    %le3A_88 = arith.cmpf ole, %get3A_83, %le3A_87 : vector<1040x1040xf32>
    %jit3A_89 = arith.constant 1040 : i32
    %broadcast_in_dim3A_90 = vector.broadcast %jit3A_89 : i32 to vector<1040x1040xi32>
    %select_n3A_91 = arith.select %le3A_88, %iota3A_43, %broadcast_in_dim3A_90 : vector<1040x1040xi1>, vector<1040x1040xi32>
    %reduce_min3A_92 = arith.constant dense<2147483647> : vector<1040xi32>
    %reduce_min3A_93 = vector.multi_reduction <minsi>, %select_n3A_91, %reduce_min3A_92 [1] : vector<1040x1040xi32> to vector<1040xi32>
    %broadcast_in_dim3A_94 = vector.shape_cast %reduce_min3A_93 : vector<1040xi32> to vector<1040x1xi32>
    %eq3A_95 = vector.broadcast %broadcast_in_dim3A_94 : vector<1040x1xi32> to vector<1040x1040xi32>
    %eq3A_96 = arith.cmpi eq, %iota3A_43, %eq3A_95 : vector<1040x1040xi32>
    %jit3A_97 = arith.constant 0x7F800000 : f32
    %broadcast_in_dim3A_98 = vector.broadcast %jit3A_97 : f32 to vector<1040x1040xf32>
    %select_n3A_99 = arith.select %eq3A_96, %broadcast_in_dim3A_98, %get3A_83 : vector<1040x1040xi1>, vector<1040x1040xf32>
    %swap3A_100 = arith.constant 0 : index
    %swap3A_101 = arith.constant 0 : index
    %swap3A_102 = vector.load %arg8[%swap3A_100, %swap3A_101] : memref<1040x1040xf32, #tpu.memory_space<vmem>>, vector<1040x1040xf32>
    tpu.vector_store %arg8[%swap3A_100, %swap3A_101], %select_n3A_99 {strides = array<i32>} : memref<1040x1040xf32, #tpu.memory_space<vmem>>, vector<1040x1040xf32>,
    %max3A_103 = arith.constant 9.99999996E-13 : f32
    %max3A_104 = vector.broadcast %max3A_103 : f32 to vector<1040x1xf32>
    %max3A_105 = arith.maximumf %broadcast_in_dim3A_86, %max3A_104 : vector<1040x1xf32>
    %sqrt3A_106 = math.sqrt %max3A_105 : vector<1040x1xf32>
    %swap3A_107 = arith.constant 0 : index
    %swap3A_108 = arith.constant 0 : index
    %swap3A_109 = arith.constant 1 : index
    %swap3A_110 = vector.load %arg3[%swap3A_107, %swap3A_108, %swap3A_109] : memref<1x1040x5xf32, #tpu.memory_space<vmem>>, vector<1x1040x1xf32>
    %swap3A_111 = vector.shape_cast %swap3A_110 : vector<1x1040x1xf32> to vector<1040x1xf32>
    %swap3A_112 = vector.shape_cast %sqrt3A_106 : vector<1040x1xf32> to vector<1x1040x1xf32>
    tpu.vector_store %arg3[%swap3A_107, %swap3A_108, %swap3A_109], %swap3A_112 {strides = array<i32>} : memref<1x1040x5xf32, #tpu.memory_space<vmem>>, vector<1x1040x1xf32>,
    %swap3A_113 = arith.constant 0 : index
    %swap3A_114 = arith.constant 0 : index
    %swap3A_115 = arith.constant 1 : index
    %swap3A_116 = vector.load %arg4[%swap3A_113, %swap3A_114, %swap3A_115] : memref<1x1040x5xi32, #tpu.memory_space<vmem>>, vector<1x1040x1xi32>
    %swap3A_117 = vector.shape_cast %swap3A_116 : vector<1x1040x1xi32> to vector<1040x1xi32>
    %swap3A_118 = vector.shape_cast %broadcast_in_dim3A_94 : vector<1040x1xi32> to vector<1x1040x1xi32>
    tpu.vector_store %arg4[%swap3A_113, %swap3A_114, %swap3A_115], %swap3A_118 {strides = array<i32>} : memref<1x1040x5xi32, #tpu.memory_space<vmem>>, vector<1x1040x1xi32>,
    %get3A_119 = arith.constant 0 : index
    %get3A_120 = arith.constant 0 : index
    %get3A_121 = vector.load %arg8[%get3A_119, %get3A_120] : memref<1040x1040xf32, #tpu.memory_space<vmem>>, vector<1040x1040xf32>
    %reduce_min3A_122 = arith.constant dense<0x7F800000> : vector<1040xf32>
    %reduce_min3A_123 = vector.multi_reduction <minimumf>, %get3A_121, %reduce_min3A_122 [1] : vector<1040x1040xf32> to vector<1040xf32>
    %broadcast_in_dim3A_124 = vector.shape_cast %reduce_min3A_123 : vector<1040xf32> to vector<1040x1xf32>
    %le3A_125 = vector.broadcast %broadcast_in_dim3A_124 : vector<1040x1xf32> to vector<1040x1040xf32>
    %le3A_126 = arith.cmpf ole, %get3A_121, %le3A_125 : vector<1040x1040xf32>
    %jit3A_127 = arith.constant 1040 : i32
    %broadcast_in_dim3A_128 = vector.broadcast %jit3A_127 : i32 to vector<1040x1040xi32>
    %select_n3A_129 = arith.select %le3A_126, %iota3A_43, %broadcast_in_dim3A_128 : vector<1040x1040xi1>, vector<1040x1040xi32>
    %reduce_min3A_130 = arith.constant dense<2147483647> : vector<1040xi32>
    %reduce_min3A_131 = vector.multi_reduction <minsi>, %select_n3A_129, %reduce_min3A_130 [1] : vector<1040x1040xi32> to vector<1040xi32>
    %broadcast_in_dim3A_132 = vector.shape_cast %reduce_min3A_131 : vector<1040xi32> to vector<1040x1xi32>
    %eq3A_133 = vector.broadcast %broadcast_in_dim3A_132 : vector<1040x1xi32> to vector<1040x1040xi32>
    %eq3A_134 = arith.cmpi eq, %iota3A_43, %eq3A_133 : vector<1040x1040xi32>
    %jit3A_135 = arith.constant 0x7F800000 : f32
    %broadcast_in_dim3A_136 = vector.broadcast %jit3A_135 : f32 to vector<1040x1040xf32>
    %select_n3A_137 = arith.select %eq3A_134, %broadcast_in_dim3A_136, %get3A_121 : vector<1040x1040xi1>, vector<1040x1040xf32>
    %swap3A_138 = arith.constant 0 : index
    %swap3A_139 = arith.constant 0 : index
    %swap3A_140 = vector.load %arg8[%swap3A_138, %swap3A_139] : memref<1040x1040xf32, #tpu.memory_space<vmem>>, vector<1040x1040xf32>
    tpu.vector_store %arg8[%swap3A_138, %swap3A_139], %select_n3A_137 {strides = array<i32>} : memref<1040x1040xf32, #tpu.memory_space<vmem>>, vector<1040x1040xf32>,
    %max3A_141 = arith.constant 9.99999996E-13 : f32
    %max3A_142 = vector.broadcast %max3A_141 : f32 to vector<1040x1xf32>
    %max3A_143 = arith.maximumf %broadcast_in_dim3A_124, %max3A_142 : vector<1040x1xf32>
    %sqrt3A_144 = math.sqrt %max3A_143 : vector<1040x1xf32>
    %swap3A_145 = arith.constant 0 : index
    %swap3A_146 = arith.constant 0 : index
    %swap3A_147 = arith.constant 2 : index
    %swap3A_148 = vector.load %arg3[%swap3A_145, %swap3A_146, %swap3A_147] : memref<1x1040x5xf32, #tpu.memory_space<vmem>>, vector<1x1040x1xf32>
    %swap3A_149 = vector.shape_cast %swap3A_148 : vector<1x1040x1xf32> to vector<1040x1xf32>
    %swap3A_150 = vector.shape_cast %sqrt3A_144 : vector<1040x1xf32> to vector<1x1040x1xf32>
    tpu.vector_store %arg3[%swap3A_145, %swap3A_146, %swap3A_147], %swap3A_150 {strides = array<i32>} : memref<1x1040x5xf32, #tpu.memory_space<vmem>>, vector<1x1040x1xf32>,
    %swap3A_151 = arith.constant 0 : index
    %swap3A_152 = arith.constant 0 : index
    %swap3A_153 = arith.constant 2 : index
    %swap3A_154 = vector.load %arg4[%swap3A_151, %swap3A_152, %swap3A_153] : memref<1x1040x5xi32, #tpu.memory_space<vmem>>, vector<1x1040x1xi32>
    %swap3A_155 = vector.shape_cast %swap3A_154 : vector<1x1040x1xi32> to vector<1040x1xi32>
    %swap3A_156 = vector.shape_cast %broadcast_in_dim3A_132 : vector<1040x1xi32> to vector<1x1040x1xi32>
    tpu.vector_store %arg4[%swap3A_151, %swap3A_152, %swap3A_153], %swap3A_156 {strides = array<i32>} : memref<1x1040x5xi32, #tpu.memory_space<vmem>>, vector<1x1040x1xi32>,
    %get3A_157 = arith.constant 0 : index
    %get3A_158 = arith.constant 0 : index
    %get3A_159 = vector.load %arg8[%get3A_157, %get3A_158] : memref<1040x1040xf32, #tpu.memory_space<vmem>>, vector<1040x1040xf32>
    %reduce_min3A_160 = arith.constant dense<0x7F800000> : vector<1040xf32>
    %reduce_min3A_161 = vector.multi_reduction <minimumf>, %get3A_159, %reduce_min3A_160 [1] : vector<1040x1040xf32> to vector<1040xf32>
    %broadcast_in_dim3A_162 = vector.shape_cast %reduce_min3A_161 : vector<1040xf32> to vector<1040x1xf32>
    %le3A_163 = vector.broadcast %broadcast_in_dim3A_162 : vector<1040x1xf32> to vector<1040x1040xf32>
    %le3A_164 = arith.cmpf ole, %get3A_159, %le3A_163 : vector<1040x1040xf32>
    %jit3A_165 = arith.constant 1040 : i32
    %broadcast_in_dim3A_166 = vector.broadcast %jit3A_165 : i32 to vector<1040x1040xi32>
    %select_n3A_167 = arith.select %le3A_164, %iota3A_43, %broadcast_in_dim3A_166 : vector<1040x1040xi1>, vector<1040x1040xi32>
    %reduce_min3A_168 = arith.constant dense<2147483647> : vector<1040xi32>
    %reduce_min3A_169 = vector.multi_reduction <minsi>, %select_n3A_167, %reduce_min3A_168 [1] : vector<1040x1040xi32> to vector<1040xi32>
    %broadcast_in_dim3A_170 = vector.shape_cast %reduce_min3A_169 : vector<1040xi32> to vector<1040x1xi32>
    %eq3A_171 = vector.broadcast %broadcast_in_dim3A_170 : vector<1040x1xi32> to vector<1040x1040xi32>
    %eq3A_172 = arith.cmpi eq, %iota3A_43, %eq3A_171 : vector<1040x1040xi32>
    %jit3A_173 = arith.constant 0x7F800000 : f32
    %broadcast_in_dim3A_174 = vector.broadcast %jit3A_173 : f32 to vector<1040x1040xf32>
    %select_n3A_175 = arith.select %eq3A_172, %broadcast_in_dim3A_174, %get3A_159 : vector<1040x1040xi1>, vector<1040x1040xf32>
    %swap3A_176 = arith.constant 0 : index
    %swap3A_177 = arith.constant 0 : index
    %swap3A_178 = vector.load %arg8[%swap3A_176, %swap3A_177] : memref<1040x1040xf32, #tpu.memory_space<vmem>>, vector<1040x1040xf32>
    tpu.vector_store %arg8[%swap3A_176, %swap3A_177], %select_n3A_175 {strides = array<i32>} : memref<1040x1040xf32, #tpu.memory_space<vmem>>, vector<1040x1040xf32>,
    %max3A_179 = arith.constant 9.99999996E-13 : f32
    %max3A_180 = vector.broadcast %max3A_179 : f32 to vector<1040x1xf32>
    %max3A_181 = arith.maximumf %broadcast_in_dim3A_162, %max3A_180 : vector<1040x1xf32>
    %sqrt3A_182 = math.sqrt %max3A_181 : vector<1040x1xf32>
    %swap3A_183 = arith.constant 0 : index
    %swap3A_184 = arith.constant 0 : index
    %swap3A_185 = arith.constant 3 : index
    %swap3A_186 = vector.load %arg3[%swap3A_183, %swap3A_184, %swap3A_185] : memref<1x1040x5xf32, #tpu.memory_space<vmem>>, vector<1x1040x1xf32>
    %swap3A_187 = vector.shape_cast %swap3A_186 : vector<1x1040x1xf32> to vector<1040x1xf32>
    %swap3A_188 = vector.shape_cast %sqrt3A_182 : vector<1040x1xf32> to vector<1x1040x1xf32>
    tpu.vector_store %arg3[%swap3A_183, %swap3A_184, %swap3A_185], %swap3A_188 {strides = array<i32>} : memref<1x1040x5xf32, #tpu.memory_space<vmem>>, vector<1x1040x1xf32>,
    %swap3A_189 = arith.constant 0 : index
    %swap3A_190 = arith.constant 0 : index
    %swap3A_191 = arith.constant 3 : index
    %swap3A_192 = vector.load %arg4[%swap3A_189, %swap3A_190, %swap3A_191] : memref<1x1040x5xi32, #tpu.memory_space<vmem>>, vector<1x1040x1xi32>
    %swap3A_193 = vector.shape_cast %swap3A_192 : vector<1x1040x1xi32> to vector<1040x1xi32>
    %swap3A_194 = vector.shape_cast %broadcast_in_dim3A_170 : vector<1040x1xi32> to vector<1x1040x1xi32>
    tpu.vector_store %arg4[%swap3A_189, %swap3A_190, %swap3A_191], %swap3A_194 {strides = array<i32>} : memref<1x1040x5xi32, #tpu.memory_space<vmem>>, vector<1x1040x1xi32>,
    %get3A_195 = arith.constant 0 : index
    %get3A_196 = arith.constant 0 : index
    %get3A_197 = vector.load %arg8[%get3A_195, %get3A_196] : memref<1040x1040xf32, #tpu.memory_space<vmem>>, vector<1040x1040xf32>
    %reduce_min3A_198 = arith.constant dense<0x7F800000> : vector<1040xf32>
    %reduce_min3A_199 = vector.multi_reduction <minimumf>, %get3A_197, %reduce_min3A_198 [1] : vector<1040x1040xf32> to vector<1040xf32>
    %broadcast_in_dim3A_200 = vector.shape_cast %reduce_min3A_199 : vector<1040xf32> to vector<1040x1xf32>
    %le3A_201 = vector.broadcast %broadcast_in_dim3A_200 : vector<1040x1xf32> to vector<1040x1040xf32>
    %le3A_202 = arith.cmpf ole, %get3A_197, %le3A_201 : vector<1040x1040xf32>
    %jit3A_203 = arith.constant 1040 : i32
    %broadcast_in_dim3A_204 = vector.broadcast %jit3A_203 : i32 to vector<1040x1040xi32>
    %select_n3A_205 = arith.select %le3A_202, %iota3A_43, %broadcast_in_dim3A_204 : vector<1040x1040xi1>, vector<1040x1040xi32>
    %reduce_min3A_206 = arith.constant dense<2147483647> : vector<1040xi32>
    %reduce_min3A_207 = vector.multi_reduction <minsi>, %select_n3A_205, %reduce_min3A_206 [1] : vector<1040x1040xi32> to vector<1040xi32>
    %broadcast_in_dim3A_208 = vector.shape_cast %reduce_min3A_207 : vector<1040xi32> to vector<1040x1xi32>
    %eq3A_209 = vector.broadcast %broadcast_in_dim3A_208 : vector<1040x1xi32> to vector<1040x1040xi32>
    %eq3A_210 = arith.cmpi eq, %iota3A_43, %eq3A_209 : vector<1040x1040xi32>
    %jit3A_211 = arith.constant 0x7F800000 : f32
    %broadcast_in_dim3A_212 = vector.broadcast %jit3A_211 : f32 to vector<1040x1040xf32>
    %select_n3A_213 = arith.select %eq3A_210, %broadcast_in_dim3A_212, %get3A_197 : vector<1040x1040xi1>, vector<1040x1040xf32>
    %swap3A_214 = arith.constant 0 : index
    %swap3A_215 = arith.constant 0 : index
    %swap3A_216 = vector.load %arg8[%swap3A_214, %swap3A_215] : memref<1040x1040xf32, #tpu.memory_space<vmem>>, vector<1040x1040xf32>
    tpu.vector_store %arg8[%swap3A_214, %swap3A_215], %select_n3A_213 {strides = array<i32>} : memref<1040x1040xf32, #tpu.memory_space<vmem>>, vector<1040x1040xf32>,
    %max3A_217 = arith.constant 9.99999996E-13 : f32
    %max3A_218 = vector.broadcast %max3A_217 : f32 to vector<1040x1xf32>
    %max3A_219 = arith.maximumf %broadcast_in_dim3A_200, %max3A_218 : vector<1040x1xf32>
    %sqrt3A_220 = math.sqrt %max3A_219 : vector<1040x1xf32>
    %swap3A_221 = arith.constant 0 : index
    %swap3A_222 = arith.constant 0 : index
    %swap3A_223 = arith.constant 4 : index
    %swap3A_224 = vector.load %arg3[%swap3A_221, %swap3A_222, %swap3A_223] : memref<1x1040x5xf32, #tpu.memory_space<vmem>>, vector<1x1040x1xf32>
    %swap3A_225 = vector.shape_cast %swap3A_224 : vector<1x1040x1xf32> to vector<1040x1xf32>
    %swap3A_226 = vector.shape_cast %sqrt3A_220 : vector<1040x1xf32> to vector<1x1040x1xf32>
    tpu.vector_store %arg3[%swap3A_221, %swap3A_222, %swap3A_223], %swap3A_226 {strides = array<i32>} : memref<1x1040x5xf32, #tpu.memory_space<vmem>>, vector<1x1040x1xf32>,
    %swap3A_227 = arith.constant 0 : index
    %swap3A_228 = arith.constant 0 : index
    %swap3A_229 = arith.constant 4 : index
    %swap3A_230 = vector.load %arg4[%swap3A_227, %swap3A_228, %swap3A_229] : memref<1x1040x5xi32, #tpu.memory_space<vmem>>, vector<1x1040x1xi32>
    %swap3A_231 = vector.shape_cast %swap3A_230 : vector<1x1040x1xi32> to vector<1040x1xi32>
    %swap3A_232 = vector.shape_cast %broadcast_in_dim3A_208 : vector<1040x1xi32> to vector<1x1040x1xi32>
    tpu.vector_store %arg4[%swap3A_227, %swap3A_228, %swap3A_229], %swap3A_232 {strides = array<i32>} : memref<1x1040x5xi32, #tpu.memory_space<vmem>>, vector<1x1040x1xi32>,
    %get3A_233 = arith.constant 0 : index
    %get3A_234 = arith.constant 0 : index
    %get3A_235 = vector.load %arg8[%get3A_233, %get3A_234] : memref<1040x1040xf32, #tpu.memory_space<vmem>>, vector<1040x1040xf32>
    %eq3A_236 = arith.constant 0x7F800000 : f32
    %eq3A_237 = vector.broadcast %eq3A_236 : f32 to vector<1040x1040xf32>
    %eq3A_238 = arith.cmpf oeq, %get3A_235, %eq3A_237 : vector<1040x1040xf32>
    %ne3A = arith.cmpi ne, %iota3A, %iota3A_43 : vector<1040x1040xi32>
    %and3A = arith.andi %eq3A_238, %ne3A : vector<1040x1040xi1>
    %add3A_239 = arith.constant 512 : i32
    %add3A_240 = vector.broadcast %add3A_239 : i32 to vector<1040x1040xi32>
    %add3A_241 = arith.addi %iota3A_43, %add3A_240 : vector<1040x1040xi32>
    %eq3A_242 = arith.cmpi eq, %iota3A, %add3A_241 : vector<1040x1040xi32>
    %lt3A = arith.constant 16 : i32
    %lt3A_243 = vector.broadcast %lt3A : i32 to vector<1040x1040xi32>
    %lt3A_244 = arith.cmpi slt, %iota3A_43, %lt3A_243 : vector<1040x1040xi32>
    %and3A_245 = arith.andi %eq3A_242, %lt3A_244 : vector<1040x1040xi1>
    %or3A = arith.ori %and3A, %and3A_245 : vector<1040x1040xi1>
    %jit3A_246 = arith.constant 1.000000e+00 : f32
    %jit3A_247 = arith.constant 0.000000e+00 : f32
    %broadcast_in_dim3A_248 = vector.broadcast %jit3A_246 : f32 to vector<1040x1040xf32>
    %broadcast_in_dim3A_249 = vector.broadcast %jit3A_247 : f32 to vector<1040x1040xf32>
    %select_n3A_250 = arith.select %or3A, %broadcast_in_dim3A_248, %broadcast_in_dim3A_249 : vector<1040x1040xi1>, vector<1040x1040xf32>
    %gt3A = arith.cmpi sgt, %iota3A, %iota3A_43 : vector<1040x1040xi32>
    %jit3A_251 = arith.constant 1.000000e+00 : f32
    %jit3A_252 = arith.constant 0.000000e+00 : f32
    %broadcast_in_dim3A_253 = vector.broadcast %jit3A_251 : f32 to vector<1040x1040xf32>
    %broadcast_in_dim3A_254 = vector.broadcast %jit3A_252 : f32 to vector<1040x1040xf32>
    %select_n3A_255 = arith.select %gt3A, %broadcast_in_dim3A_253, %broadcast_in_dim3A_254 : vector<1040x1040xi1>, vector<1040x1040xf32>
    %convert_element_type3A_256 = arith.truncf %select_n3A_255 : vector<1040x1040xf32> to vector<1040x1040xbf16>
    %convert_element_type3A_257 = arith.truncf %select_n3A_250 : vector<1040x1040xf32> to vector<1040x1040xbf16>
    %dot_general3A_258 = arith.constant dense<0.000000e+00> : vector<1040x1040xf32>
    %dot_general3A_259 = tpu.matmul %convert_element_type3A_256, %convert_element_type3A_257, %dot_general3A_258 {dimension_numbers = #tpu.dot_dimension_numbers<[1], [0], [0], [1], [0, 0, 1, 1], [], []>, transpose_lhs_hint = false} : vector<1040x1040xbf16>, vector<1040x1040xbf16>, vector<1040x1040xf32> -> vector<1040x1040xf32>
    %slice3A = vector.extract_strided_slice %dot_general3A_259 {offsets = [1039, 0], sizes = [1, 1040], strides = [1, 1]} : vector<1040x1040xf32> to vector<1x1040xf32>
    %slice3A_260 = vector.extract_strided_slice %select_n3A_250 {offsets = [1039, 0], sizes = [1, 1040], strides = [1, 1]} : vector<1040x1040xf32> to vector<1x1040xf32>
    %add3A_261 = arith.addf %slice3A, %slice3A_260 : vector<1x1040xf32>
    %dot_general3A_262 = arith.constant dense<0.000000e+00> : vector<1x1040xf32>
    %dot_general3A_263 = tpu.matmul %add3A_261, %select_n3A_255, %dot_general3A_262 {dimension_numbers = #tpu.dot_dimension_numbers<[1], [1], [0], [0], [0, 0, 1, 0], [], []>, precision = #tpu.contract_precision<fp32>, transpose_lhs_hint = false} : vector<1x1040xf32>, vector<1040x1040xf32>, vector<1x1040xf32> -> vector<1x1040xf32>
    %add3A_264 = vector.broadcast %dot_general3A_263 : vector<1x1040xf32> to vector<1040x1040xf32>
    %add3A_265 = arith.addf %dot_general3A_259, %add3A_264 : vector<1040x1040xf32>
    %swap3A_266 = arith.constant 0 : index
    %swap3A_267 = arith.constant 0 : index
    %swap3A_268 = vector.load %arg8[%swap3A_266, %swap3A_267] : memref<1040x1040xf32, #tpu.memory_space<vmem>>, vector<1040x1040xf32>
    tpu.vector_store %arg8[%swap3A_266, %swap3A_267], %add3A_265 {strides = array<i32>} : memref<1040x1040xf32, #tpu.memory_space<vmem>>, vector<1040x1040xf32>,
    %reduce_sum3A = vector.shape_cast %add3A_261 : vector<1x1040xf32> to vector<1x1x1040xf32>
    %reduce_sum3A_269 = arith.constant dense<0.000000e+00> : vector<1xf32>
    %reduce_sum3A_270 = vector.multi_reduction <add>, %reduce_sum3A, %reduce_sum3A_269 [1, 2] : vector<1x1x1040xf32> to vector<1xf32>
    %reduce_sum3A_271 = vector.shape_cast %reduce_sum3A_270 : vector<1xf32> to vector<1x1x1xf32>
    %reduce_sum3A_272 = vector.extract %reduce_sum3A_271[0, 0, 0] : f32 from vector<1x1x1xf32>
    %convert_element_type3A_273 = arith.fptosi %reduce_sum3A_272 : f32 to i32
    %swap3A_274 = arith.constant 0 : index
    %swap3A_275 = arith.index_cast %arg0 : i32 to index
    %swap3A_276 = memref.load %arg7[%swap3A_274, %swap3A_275] : memref<1x64xi32, #tpu.memory_space<smem>>
    memref.store %convert_element_type3A_273, %arg7[%swap3A_274, %swap3A_275] : memref<1x64xi32, #tpu.memory_space<smem>>
    %get3A_277 = arith.constant 0 : index
    %get3A_278 = arith.constant 0 : index
    %get3A_279 = arith.constant 0 : index
    %get3A_280 = vector.load %arg4[%get3A_277, %get3A_278, %get3A_279] : memref<1x1040x5xi32, #tpu.memory_space<vmem>>, vector<1x1040x1xi32>
    %get3A_281 = vector.shape_cast %get3A_280 : vector<1x1040x1xi32> to vector<1040x1xi32>
    %eq3A_282 = vector.broadcast %get3A_281 : vector<1040x1xi32> to vector<1040x1040xi32>
    %eq3A_283 = arith.cmpi eq, %iota3A_43, %eq3A_282 : vector<1040x1040xi32>
    %jit3A_284 = arith.constant 0.000000e+00 : f32
    %broadcast_in_dim3A_285 = vector.broadcast %jit3A_284 : f32 to vector<1040x1040xf32>
    %select_n3A_286 = arith.select %eq3A_283, %add3A_265, %broadcast_in_dim3A_285 : vector<1040x1040xi1>, vector<1040x1040xf32>
    %reduce_sum3A_287 = arith.constant dense<0.000000e+00> : vector<1040xf32>
    %reduce_sum3A_288 = vector.multi_reduction <add>, %select_n3A_286, %reduce_sum3A_287 [1] : vector<1040x1040xf32> to vector<1040xf32>
    %broadcast_in_dim3A_289 = vector.shape_cast %reduce_sum3A_288 : vector<1040xf32> to vector<1040x1xf32>
    %convert_element_type3A_290 = arith.fptosi %broadcast_in_dim3A_289 : vector<1040x1xf32> to vector<1040x1xi32>
    %swap3A_291 = arith.constant 0 : index
    %swap3A_292 = arith.constant 0 : index
    %swap3A_293 = arith.constant 0 : index
    %swap3A_294 = vector.load %arg5[%swap3A_291, %swap3A_292, %swap3A_293] : memref<1x1040x5xi32, #tpu.memory_space<vmem>>, vector<1x1040x1xi32>
    %swap3A_295 = vector.shape_cast %swap3A_294 : vector<1x1040x1xi32> to vector<1040x1xi32>
    %swap3A_296 = vector.shape_cast %convert_element_type3A_290 : vector<1040x1xi32> to vector<1x1040x1xi32>
    tpu.vector_store %arg5[%swap3A_291, %swap3A_292, %swap3A_293], %swap3A_296 {strides = array<i32>} : memref<1x1040x5xi32, #tpu.memory_space<vmem>>, vector<1x1040x1xi32>,
    %get3A_297 = arith.constant 0 : index
    %get3A_298 = arith.constant 0 : index
    %get3A_299 = arith.constant 1 : index
    %get3A_300 = vector.load %arg4[%get3A_297, %get3A_298, %get3A_299] : memref<1x1040x5xi32, #tpu.memory_space<vmem>>, vector<1x1040x1xi32>
    %get3A_301 = vector.shape_cast %get3A_300 : vector<1x1040x1xi32> to vector<1040x1xi32>
    %eq3A_302 = vector.broadcast %get3A_301 : vector<1040x1xi32> to vector<1040x1040xi32>
    %eq3A_303 = arith.cmpi eq, %iota3A_43, %eq3A_302 : vector<1040x1040xi32>
    %jit3A_304 = arith.constant 0.000000e+00 : f32
    %broadcast_in_dim3A_305 = vector.broadcast %jit3A_304 : f32 to vector<1040x1040xf32>
    %select_n3A_306 = arith.select %eq3A_303, %add3A_265, %broadcast_in_dim3A_305 : vector<1040x1040xi1>, vector<1040x1040xf32>
    %reduce_sum3A_307 = arith.constant dense<0.000000e+00> : vector<1040xf32>
    %reduce_sum3A_308 = vector.multi_reduction <add>, %select_n3A_306, %reduce_sum3A_307 [1] : vector<1040x1040xf32> to vector<1040xf32>
    %broadcast_in_dim3A_309 = vector.shape_cast %reduce_sum3A_308 : vector<1040xf32> to vector<1040x1xf32>
    %convert_element_type3A_310 = arith.fptosi %broadcast_in_dim3A_309 : vector<1040x1xf32> to vector<1040x1xi32>
    %swap3A_311 = arith.constant 0 : index
    %swap3A_312 = arith.constant 0 : index
    %swap3A_313 = arith.constant 1 : index
    %swap3A_314 = vector.load %arg5[%swap3A_311, %swap3A_312, %swap3A_313] : memref<1x1040x5xi32, #tpu.memory_space<vmem>>, vector<1x1040x1xi32>
    %swap3A_315 = vector.shape_cast %swap3A_314 : vector<1x1040x1xi32> to vector<1040x1xi32>
    %swap3A_316 = vector.shape_cast %convert_element_type3A_310 : vector<1040x1xi32> to vector<1x1040x1xi32>
    tpu.vector_store %arg5[%swap3A_311, %swap3A_312, %swap3A_313], %swap3A_316 {strides = array<i32>} : memref<1x1040x5xi32, #tpu.memory_space<vmem>>, vector<1x1040x1xi32>,
    %get3A_317 = arith.constant 0 : index
    %get3A_318 = arith.constant 0 : index
    %get3A_319 = arith.constant 2 : index
    %get3A_320 = vector.load %arg4[%get3A_317, %get3A_318, %get3A_319] : memref<1x1040x5xi32, #tpu.memory_space<vmem>>, vector<1x1040x1xi32>
    %get3A_321 = vector.shape_cast %get3A_320 : vector<1x1040x1xi32> to vector<1040x1xi32>
    %eq3A_322 = vector.broadcast %get3A_321 : vector<1040x1xi32> to vector<1040x1040xi32>
    %eq3A_323 = arith.cmpi eq, %iota3A_43, %eq3A_322 : vector<1040x1040xi32>
    %jit3A_324 = arith.constant 0.000000e+00 : f32
    %broadcast_in_dim3A_325 = vector.broadcast %jit3A_324 : f32 to vector<1040x1040xf32>
    %select_n3A_326 = arith.select %eq3A_323, %add3A_265, %broadcast_in_dim3A_325 : vector<1040x1040xi1>, vector<1040x1040xf32>
    %reduce_sum3A_327 = arith.constant dense<0.000000e+00> : vector<1040xf32>
    %reduce_sum3A_328 = vector.multi_reduction <add>, %select_n3A_326, %reduce_sum3A_327 [1] : vector<1040x1040xf32> to vector<1040xf32>
    %broadcast_in_dim3A_329 = vector.shape_cast %reduce_sum3A_328 : vector<1040xf32> to vector<1040x1xf32>
    %convert_element_type3A_330 = arith.fptosi %broadcast_in_dim3A_329 : vector<1040x1xf32> to vector<1040x1xi32>
    %swap3A_331 = arith.constant 0 : index
    %swap3A_332 = arith.constant 0 : index
    %swap3A_333 = arith.constant 2 : index
    %swap3A_334 = vector.load %arg5[%swap3A_331, %swap3A_332, %swap3A_333] : memref<1x1040x5xi32, #tpu.memory_space<vmem>>, vector<1x1040x1xi32>
    %swap3A_335 = vector.shape_cast %swap3A_334 : vector<1x1040x1xi32> to vector<1040x1xi32>
    %swap3A_336 = vector.shape_cast %convert_element_type3A_330 : vector<1040x1xi32> to vector<1x1040x1xi32>
    tpu.vector_store %arg5[%swap3A_331, %swap3A_332, %swap3A_333], %swap3A_336 {strides = array<i32>} : memref<1x1040x5xi32, #tpu.memory_space<vmem>>, vector<1x1040x1xi32>,
    %get3A_337 = arith.constant 0 : index
    %get3A_338 = arith.constant 0 : index
    %get3A_339 = arith.constant 3 : index
    %get3A_340 = vector.load %arg4[%get3A_337, %get3A_338, %get3A_339] : memref<1x1040x5xi32, #tpu.memory_space<vmem>>, vector<1x1040x1xi32>
    %get3A_341 = vector.shape_cast %get3A_340 : vector<1x1040x1xi32> to vector<1040x1xi32>
    %eq3A_342 = vector.broadcast %get3A_341 : vector<1040x1xi32> to vector<1040x1040xi32>
    %eq3A_343 = arith.cmpi eq, %iota3A_43, %eq3A_342 : vector<1040x1040xi32>
    %jit3A_344 = arith.constant 0.000000e+00 : f32
    %broadcast_in_dim3A_345 = vector.broadcast %jit3A_344 : f32 to vector<1040x1040xf32>
    %select_n3A_346 = arith.select %eq3A_343, %add3A_265, %broadcast_in_dim3A_345 : vector<1040x1040xi1>, vector<1040x1040xf32>
    %reduce_sum3A_347 = arith.constant dense<0.000000e+00> : vector<1040xf32>
    %reduce_sum3A_348 = vector.multi_reduction <add>, %select_n3A_346, %reduce_sum3A_347 [1] : vector<1040x1040xf32> to vector<1040xf32>
    %broadcast_in_dim3A_349 = vector.shape_cast %reduce_sum3A_348 : vector<1040xf32> to vector<1040x1xf32>
    %convert_element_type3A_350 = arith.fptosi %broadcast_in_dim3A_349 : vector<1040x1xf32> to vector<1040x1xi32>
    %swap3A_351 = arith.constant 0 : index
    %swap3A_352 = arith.constant 0 : index
    %swap3A_353 = arith.constant 3 : index
    %swap3A_354 = vector.load %arg5[%swap3A_351, %swap3A_352, %swap3A_353] : memref<1x1040x5xi32, #tpu.memory_space<vmem>>, vector<1x1040x1xi32>
    %swap3A_355 = vector.shape_cast %swap3A_354 : vector<1x1040x1xi32> to vector<1040x1xi32>
    %swap3A_356 = vector.shape_cast %convert_element_type3A_350 : vector<1040x1xi32> to vector<1x1040x1xi32>
    tpu.vector_store %arg5[%swap3A_351, %swap3A_352, %swap3A_353], %swap3A_356 {strides = array<i32>} : memref<1x1040x5xi32, #tpu.memory_space<vmem>>, vector<1x1040x1xi32>,
    %get3A_357 = arith.constant 0 : index
    %get3A_358 = arith.constant 0 : index
    %get3A_359 = arith.constant 4 : index
    %get3A_360 = vector.load %arg4[%get3A_357, %get3A_358, %get3A_359] : memref<1x1040x5xi32, #tpu.memory_space<vmem>>, vector<1x1040x1xi32>
    %get3A_361 = vector.shape_cast %get3A_360 : vector<1x1040x1xi32> to vector<1040x1xi32>
    %eq3A_362 = vector.broadcast %get3A_361 : vector<1040x1xi32> to vector<1040x1040xi32>
    %eq3A_363 = arith.cmpi eq, %iota3A_43, %eq3A_362 : vector<1040x1040xi32>
    %jit3A_364 = arith.constant 0.000000e+00 : f32
    %broadcast_in_dim3A_365 = vector.broadcast %jit3A_364 : f32 to vector<1040x1040xf32>
    %select_n3A_366 = arith.select %eq3A_363, %add3A_265, %broadcast_in_dim3A_365 : vector<1040x1040xi1>, vector<1040x1040xf32>
    %reduce_sum3A_367 = arith.constant dense<0.000000e+00> : vector<1040xf32>
    %reduce_sum3A_368 = vector.multi_reduction <add>, %select_n3A_366, %reduce_sum3A_367 [1] : vector<1040x1040xf32> to vector<1040xf32>
    %broadcast_in_dim3A_369 = vector.shape_cast %reduce_sum3A_368 : vector<1040xf32> to vector<1040x1xf32>
    %convert_element_type3A_370 = arith.fptosi %broadcast_in_dim3A_369 : vector<1040x1xf32> to vector<1040x1xi32>
    %swap3A_371 = arith.constant 0 : index
    %swap3A_372 = arith.constant 0 : index
    %swap3A_373 = arith.constant 4 : index
    %swap3A_374 = vector.load %arg5[%swap3A_371, %swap3A_372, %swap3A_373] : memref<1x1040x5xi32, #tpu.memory_space<vmem>>, vector<1x1040x1xi32>
    %swap3A_375 = vector.shape_cast %swap3A_374 : vector<1x1040x1xi32> to vector<1040x1xi32>
    %swap3A_376 = vector.shape_cast %convert_element_type3A_370 : vector<1040x1xi32> to vector<1x1040x1xi32>
    tpu.vector_store %arg5[%swap3A_371, %swap3A_372, %swap3A_373], %swap3A_376 {strides = array<i32>} : memref<1x1040x5xi32, #tpu.memory_space<vmem>>, vector<1x1040x1xi32>,
    %slice3A_377 = vector.extract_strided_slice %add3A_265 {offsets = [512, 0], sizes = [16, 1040], strides = [1, 1]} : vector<1040x1040xf32> to vector<16x1040xf32>
    %iota3A_378 = tpu.iota {dimensions = array<i32: 0>} : vector<16x1040xi32>
    %iota3A_379 = tpu.iota {dimensions = array<i32: 1>} : vector<16x1040xi32>
    %eq3A_380 = arith.cmpi eq, %iota3A_378, %iota3A_379 : vector<16x1040xi32>
    %jit3A_381 = arith.constant 0.000000e+00 : f32
    %broadcast_in_dim3A_382 = vector.broadcast %jit3A_381 : f32 to vector<16x1040xf32>
    %select_n3A_383 = arith.select %eq3A_380, %slice3A_377, %broadcast_in_dim3A_382 : vector<16x1040xi1>, vector<16x1040xf32>
    %reduce_sum3A_384 = arith.constant dense<0.000000e+00> : vector<16xf32>
    %reduce_sum3A_385 = vector.multi_reduction <add>, %select_n3A_383, %reduce_sum3A_384 [1] : vector<16x1040xf32> to vector<16xf32>
    %broadcast_in_dim3A_386 = vector.shape_cast %reduce_sum3A_385 : vector<16xf32> to vector<16x1xf32>
    %convert_element_type3A_387 = arith.fptosi %broadcast_in_dim3A_386 : vector<16x1xf32> to vector<16x1xi32>
    %swap3A_388 = arith.constant 0 : index
    %swap3A_389 = arith.constant 0 : index
    %swap3A_390 = arith.constant 0 : index
    %swap3A_391 = vector.load %arg6[%swap3A_388, %swap3A_389, %swap3A_390] : memref<1x16x1xi32, #tpu.memory_space<vmem>>, vector<1x16x1xi32>
    %swap3A_392 = vector.shape_cast %swap3A_391 : vector<1x16x1xi32> to vector<16x1xi32>
    %swap3A_393 = vector.shape_cast %convert_element_type3A_387 : vector<16x1xi32> to vector<1x16x1xi32>
    tpu.vector_store %arg6[%swap3A_388, %swap3A_389, %swap3A_390], %swap3A_393 {strides = array<i32>} : memref<1x16x1xi32, #tpu.memory_space<vmem>>, vector<1x16x1xi32>,
    return
  }
  func.func @transform_0(%arg0: i32) -> (i32, i32, i32) {
    %c0_i32 = arith.constant 0 : i32
    %c0_i32_0 = arith.constant 0 : i32
    %c0_i32_1 = arith.constant 0 : i32
    return %arg0, %c0_i32, %c0_i32_0 : i32, i32, i32
  }
  func.func @transform_1(%arg0: i32) -> (i32, i32, i32) {
    %c0_i32 = arith.constant 0 : i32
    %c0_i32_0 = arith.constant 0 : i32
    %c0_i32_1 = arith.constant 0 : i32
    return %arg0, %c0_i32, %c0_i32_0 : i32, i32, i32
  }
  func.func @transform_2(%arg0: i32) -> (i32, i32, i32) {
    %c0_i32 = arith.constant 0 : i32
    %c0_i32_0 = arith.constant 0 : i32
    %c0_i32_1 = arith.constant 0 : i32
    return %arg0, %c0_i32, %c0_i32_0 : i32, i32, i32
  }
  func.func @transform_3(%arg0: i32) -> (i32, i32, i32) {
    %c0_i32 = arith.constant 0 : i32
    %c0_i32_0 = arith.constant 0 : i32
    %c0_i32_1 = arith.constant 0 : i32
    return %arg0, %c0_i32, %c0_i32_0 : i32, i32, i32
  }
  func.func @transform_4(%arg0: i32) -> (i32, i32, i32) {
    %c0_i32 = arith.constant 0 : i32
    %c0_i32_0 = arith.constant 0 : i32
    %c0_i32_1 = arith.constant 0 : i32
    return %arg0, %c0_i32, %c0_i32_0 : i32, i32, i32
  }
  func.func @transform_5(%arg0: i32) -> (i32, i32, i32) {
    %c0_i32 = arith.constant 0 : i32
    %c0_i32_0 = arith.constant 0 : i32
    %c0_i32_1 = arith.constant 0 : i32
    return %arg0, %c0_i32, %c0_i32_0 : i32, i32, i32
  }
  func.func @transform_6(%arg0: i32) -> (i32, i32) {
    %c0_i32 = arith.constant 0 : i32
    %c0_i32_0 = arith.constant 0 : i32
    %c0_i32_1 = arith.constant 0 : i32
    return %c0_i32, %c0_i32_0 : i32, i32
  }
}

</mosaic_0001>

<sc_bundles>
// kernel: kernel.4.cloned.1.call-start
scs
__scs_entry_jumppad:
0x0: {  	(pc) =	sbr.rel $0x88, $3  }
0x1: {  	(tag) =	ssettag $0x0;
	lr =	simm.s32 $0x1  }
0x2: {  	[smem:$0x3F9F] =	sst lr;
	_ =	strace $0xD0000000  }
0x3: {  	_ = 	snop  }
0x4: {  	_ = 	snop  }
0x5: {  	_ = 	snop  }
0x6: {  	_ = 	snop  }
0x7: {  	_ = 	snop  }
__scs_overlays_trampoline_lowered:
0x8: {  	[smem:$0x3FAE] =	sst s0  }
0x9: {  	[smem:$0x3FAF] =	sst s1  }
0xa: {  	[smem:$0x3FB0] =	sst s2  }
0xb: {  	[smem:$0x3FB1] =	sst s3  }
0xc: {  	[smem:$0x3FB2] =	sst s4  }
0xd: {  	[smem:$0x3FB3] =	sst s5  }
0xe: {  	[smem:$0x3FB4] =	sst s6  }
0xf: {  	[smem:$0x3FB5] =	sst s7  }
0x10: {  	[smem:$0x3FB6] =	sst s8  }
0x11: {  	[smem:$0x3FB7] =	sst s9;
	s0 =	simm.s32 @!p0 $0x0  }
0x12: {  	s1 =	sld [smem:$0x3F9D];
	s0 =	simm.s32 @p0 $0x1  }
0x13: {  	[smem:$0x3FB8] =	sst s0;
	s0 =	simm.s32 @!p1 $0x0  }
0x14: {  	s2 =	sld [smem:$0x3F9C];
	s0 =	simm.s32 @p1 $0x1  }
0x15: {  	[smem:$0x3FB9] =	sst s0;
	s0 =	simm.s32 @!p2 $0x0  }
0x16: {  	s3 =	sld [smem:$0x3FDB];
	s0 =	simm.s32 @p2 $0x1  }
0x17: {  	s4 =	simm.s32 $0x1BF5;
	[smem:$0x3FBB] =	sst s0  }
0x18: {  	s0 =	sld [smem:$0x3F9E];
	_ =	swait.ge [sflag:s4], $0x0  }
0x19: {  	s7 =	sld [smem:$0x3F9F]  }
0x1a: {  	s8 =	sadd.s32 $0xFFFFE003, lr  }
0x1b: {  	s9 =	sadd.s32 $0xFFFFFEF7, lr;
	s5 =	simm.s32 $0xFFFFFFFF;
	p2 =	slt.u32 s8, $0xFFFFF086  }
0x1c: {  	p1 =	slt.u32 s9, $0xF7A;
	s5 =	simm.s32 @!p2 $0x0  }
0x1d: {  	s5 =	simm.s32 @p1 $0x1;
	p0 =	seq.s32 s7, s2  }
0x1e: {  	s7 =	smul.u32 @!p0 $0xF7A, s2;
	p2 =	seq.s32 @!p0 s5, $0x0  }
0x1f: {  	s9 =	smul.u32 $0xF7A, s1;
	s8 =	simm.s32 @!p0 $0x1BF5;
	p2 =	por !p2, p0  }
0x20: {  	[sflag:s8] =	ssyncset.s32 @!p0 $0xFFFFF086;
	s6 =	sadd.s32 @!p0 s3, s7;
	s7 =	simm.s32 @!p0 $0x108  }
0x21: {  	s3 =	sadd.s32 s3, s9;
	s6 =	sadd.s32 @!p0 $0x88, s6;
	s7 =	simm.s32 @p2 $0x1082  }
0x22: {  	[simem:s7], [sflag:s8] =	dma.local @!p0 [hbm:s6], $0xF7A  }
0x23: {  	s9 =	sor.u32 $0xD0000000, s2;
	s6 =	simm.s32 $0x108;
	_ =	swait.ge @!p0 [sflag:s8], $0x0  }
0x24: {  	s3 =	sadd.s32 $0x88, s3;
	s6 =	simm.s32 @!p1 $0x1082;
	[sflag:s4] =	ssyncset.s32 $0xFFFFF086  }
0x25: {  	[simem:s6], [sflag:s4] =	dma.local [hbm:s3], $0xF7A  }
0x26: {  	[smem:$0x3F9F] =	sst s1;
	(tag) =	ssettag s2;
	_ =	strace s9  }
0x27: {  	s1 =	sld [smem:$0x3FAF]  }
0x28: {  	s2 =	sld [smem:$0x3FB0]  }
0x29: {  	s4 =	sld [smem:$0x3FB2]  }
0x2a: {  	p0 =	seq.s32 s5, $0x0;
	s5 =	sld [smem:$0x3FB3]  }
0x2b: {  	s6 =	sld [smem:$0x3FB4]  }
0x2c: {  	s7 =	sld [smem:$0x3FB5]  }
0x2d: {  	s3 =	simm.s32 $0x108;
	s8 =	sld [smem:$0x3FB6]  }
0x2e: {  	s3 =	simm.s32 @!p0 $0x1082;
	s9 =	sld [smem:$0x3FB7]  }
0x2f: {  	lr =	sadd.s32 s0, s3;
	s0 =	sld [smem:$0x3FAE]  }
0x30: {  	s3 =	sld [smem:$0x3FB1]  }
0x31: {  	[smem:$0x3FBA] =	sst s10  }
0x32: {  	s10 =	sld [smem:$0x3FB8];
	_ =	sdelay $0x3  }
0x33: {  	p0 =	seq.s32 s10, $0x1;
	s10 =	sld [smem:$0x3FBA];
	_ =	sdelay $0x3  }
0x34: {  	[smem:$0x3FBA] =	sst s10  }
0x35: {  	s10 =	sld [smem:$0x3FB9];
	_ =	sdelay $0x3  }
0x36: {  	p1 =	seq.s32 s10, $0x1;
	s10 =	sld [smem:$0x3FBA];
	_ =	sdelay $0x3  }
0x37: {  	[smem:$0x3FBA] =	sst s10  }
0x38: {  	s10 =	sld [smem:$0x3FBB]  }
0x39: {  	_ = 	snop;
	(pc) =	sbr.ind lr, $3  }
0x3a: {  	_ = 	snop  }
0x3b: {  	_ = 	snop  }
0x3c: {  	p2 =	seq.s32 s10, $0x1;
	s10 =	sld [smem:$0x3FBA]  }
0x3d: {  	_ =	shalt  }
0x3e: {  	_ =	shalt  }
0x3f: {  	_ =	shalt  }
0x40: {  	_ =	shalt  }
0x41: {  	_ =	shalt  }
0x42: {  	_ =	shalt  }
0x43: {  	_ =	shalt  }
0x44: {  	_ =	shalt  }
0x45: {  	_ =	shalt  }
0x46: {  	_ =	shalt  }
0x47: {  	_ =	shalt  }
0x48: {  	_ =	shalt  }
0x49: {  	_ =	shalt  }
0x4a: {  	_ =	shalt  }
0x4b: {  	_ =	shalt  }
0x4c: {  	_ =	shalt  }
0x4d: {  	_ =	shalt  }
0x4e: {  	_ =	shalt  }
0x4f: {  	_ =	shalt  }
0x50: {  	_ =	shalt  }
0x51: {  	_ =	shalt  }
0x52: {  	_ =	shalt  }
0x53: {  	_ =	shalt  }
0x54: {  	_ =	shalt  }
0x55: {  	_ =	shalt  }
0x56: {  	_ =	shalt  }
0x57: {  	_ =	shalt  }
0x58: {  	_ =	shalt  }
0x59: {  	_ =	shalt  }
0x5a: {  	_ =	shalt  }
0x5b: {  	_ =	shalt  }
0x5c: {  	_ =	shalt  }
0x5d: {  	_ =	shalt  }
0x5e: {  	_ =	shalt  }
0x5f: {  	_ =	shalt  }
0x60: {  	_ =	shalt  }
0x61: {  	_ =	shalt  }
0x62: {  	_ =	shalt  }
0x63: {  	_ =	shalt  }
0x64: {  	_ =	shalt  }
0x65: {  	_ =	shalt  }
0x66: {  	_ =	shalt  }
0x67: {  	_ =	shalt  }
0x68: {  	_ =	shalt  }
0x69: {  	_ =	shalt  }
0x6a: {  	_ =	shalt  }
0x6b: {  	_ =	shalt  }
0x6c: {  	_ =	shalt  }
0x6d: {  	_ =	shalt  }
0x6e: {  	_ =	shalt  }
0x6f: {  	_ =	shalt  }
0x70: {  	_ =	shalt  }
0x71: {  	_ =	shalt  }
0x72: {  	_ =	shalt  }
0x73: {  	_ =	shalt  }
0x74: {  	_ =	shalt  }
0x75: {  	_ =	shalt  }
0x76: {  	_ =	shalt  }
0x77: {  	_ =	shalt  }
0x78: {  	_ =	shalt  }
0x79: {  	_ =	shalt  }
0x7a: {  	_ =	shalt  }
0x7b: {  	_ =	shalt  }
0x7c: {  	_ =	shalt  }
0x7d: {  	_ =	shalt  }
0x7e: {  	_ =	shalt  }
0x7f: {  	_ =	shalt  }
0x80: {  	_ =	shalt  }
0x81: {  	_ =	shalt  }
0x82: {  	_ =	shalt  }
0x83: {  	_ =	shalt  }
0x84: {  	_ =	shalt  }
0x85: {  	_ =	shalt  }
0x86: {  	_ =	shalt  }
0x87: {  	_ =	shalt  }
.Lfunc_end0:
.L_simem_size_0:
called_computation_lowered:
.L_overlay_start_0:
0x88: {  	s2 =	sld [smem:$0x3FD9]  }
0x89: {  	s3 =	sld [smem:$0x3FFE];
	_ =	sdelay $0x1  }
0x8a: {  	s1 =	srdreg.scid  }
0x8b: {  	s0 =	sand.u32 $0x1, s1  }
0x8c: {  	s14 =	sshll.u32 s0, $0xA;
	s2 =	sadd.s32 s3, s2  }
0x8d: {  	s2 =	sadd.s32 s2, s14  }
0x8e: {  	[smem:$0x3FC6] =	sst s2  }
0x8f: {  	_ = 	snop  }
0x90: {  	s2 =	sld [smem:$0x3FD0];
	_ =	sdelay $0x2  }
0x91: {  	s15 =	simm.s32 $0xA;
	s4 =	simm.s32 $0x10  }
0x92: {  	[smem:s4], [sflag:s15] =	dma.local [hbm:s2], $0x1  }
0x93: {  	_ =	swait.eq [sflag:s15], $0x1  }
0x94: {  	[sflag:s15] =	ssyncset.done $0x0  }
0x95: {  	s16 =	sld [smem:$0x10];
	[sflag:s15] =	ssyncadd.s32 $0xFFFFFFFF  }
0x96: {  	s17 =	sld [smem:$0x11];
	(tm) =	ssettm $0x1  }
0x97: {  	s18 =	sld [smem:$0x3FFB];
	_ =	sdelay $0x3  }
0x98: {  	_ =	strace s18  }
0x99: {  	s4 =	sld [smem:$0x3FFC];
	_ =	sdelay $0x3  }
0x9a: {  	_ =	strace s4  }
0x9b: {  	s4 =	sld [smem:$0x3FFD];
	_ =	sdelay $0x3  }
0x9c: {  	_ =	strace s4  }
0x9d: {  	_ =	strace $0x8FFFFFFF  }
0x9e: {  	s19 =	sld [smem:$0x3FDB];
	_ =	sdelay $0x1  }
0x9f: {  	s5 =	simm.s32 $_scs_section_size  }
0xa0: {  	s6 =	simm.s32 $_size__tile_overlayer_lowered;
	s7 =	simm.s32 $_tile_overlayer_lowered  }
0xa1: {  	s22 =	simm.s32 $0x1BFF;
	s21 =	sshll.u32 s7, $0x1;
	s4 =	sadd.s32 s5, s19  }
0xa2: {  	s8 =	simm.s32 $0x0;
	s20 =	sshll.u32 s6, $0x1;
	s6 =	sadd.s32 s21, s4  }
0xa3: {  	[timem:s8], [sflag:s22] =	dma.local [hbm:s6], s20  }
0xa4: {  	_ =	swait.ge [sflag:s22], s20  }
0xa5: {  	s5 =	ssub.s32 $0x0, s20;
	[sflag:s22] =	ssyncset.done $0x0  }
0xa6: {  	[sflag:s22] =	ssyncadd.s32 s5;
	_ =	sdelay $0x1  }
0xa7: {  	s23 =	simm.s32 $0x1B8B  }
0xa8: {  	_ =	swait.ge [sflag:s23], $0x1  }
0xa9: {  	[sflag:s23] =	ssyncset.done $0x0  }
0xaa: {  	s25 =	simm.s32 $0x1B8E;
	s24 =	sld [smem:$0x3FFE];
	[sflag:s23] =	ssyncadd.s32 $0xFFFFFFFF  }
0xab: {  	s26 =	simm.s32 $execute0_lowered;
	[smem:$0x3FD2] =	sst s25  }
0xac: {  	s6 =	sshll.u32 s26, $0x1;
	_ =	strace $0x80000046;
	[dreg:$0x1] =	wrdreg $0xFFFFFFFF  }
0xad: {  	s28 =	simm.s32 $_size_execute0_lowered;
	s4 =	sadd.s32 s4, s6;
	[dreg:$0x0] =	wrdreg $0x0  }
0xae: {  	s6 =	sshll.u32 s28, $0x1;
	[dreg:$0x2] =	wrdreg s4  }
0xaf: {  	[dreg:$0x3] =	wrdreg s6  }
0xb0: {  	[dreg:$0x4] =	wrdreg $0xC0  }
0xb1: {  	_ =	task [dreg:s8], $0x5FFFF  }
0xb2: {  	[dreg:$0x1] =	wrdreg $0xFFFFFFFF  }
0xb3: {  	[dreg:$0x0] =	wrdreg $0x60  }
0xb4: {  	[dreg:$0x2] =	wrdreg s24  }
0xb5: {  	[dreg:$0x3] =	wrdreg s16  }
0xb6: {  	[dreg:$0x4] =	wrdreg s17  }
0xb7: {  	[dreg:$0x5] =	wrdreg $0x9  }
0xb8: {  	_ =	task.clear_ibuf [dreg:s8], $0x6FFFF;
	_ =	strace $0x90000046  }
0xb9: {  	s29 =	simm.s32 $0x9;
	_ =	strace $0x80000048  }
0xba: {  	_ =	swait.ge [sflag:s29], $0x1  }
0xbb: {  	[sflag:s29] =	ssyncadd.s32 $0xFFFFFFFF  }
0xbc: {  	_ =	strace $0x90000048  }
0xbd: {  	_ =	sfence  }
0xbe: {  	s30 =	sld [smem:$0x0];
	_ =	sdelay $0x2  }
0xbf: {  	s31 =	sshll.u32 s1, $0xD;
	s1 =	sshrl.u32 s1, $0x2  }
0xc0: {  	s3 =	sand.u32 $0x4000, s31;
	s1 =	sadd.s32 s1, s30  }
0xc1: {  	s0 =	sor.u32 s3, s0;
	s1 =	sshll.u32 s1, $0x11  }
0xc2: {  	s0 =	sor.u32 s1, s0  }
0xc3: {  	s0 =	sadd.s32 $0x8F2B, s0  }
0xc4: {  	[sflag:s0] =	ssyncadd.remote.s32 $0x1  }
0xc5: {  	_ =	sfence.sel $0xFFFF  }
0xc6: {  	[dreg:$0x0] =	wrdreg $0xFFFFFFFF;
	(pc) =	sbr.abs _section_cstart, $3  }
0xc7: {  	[dreg:$0x1] =	wrdreg $0xFFFFFFFF  }
0xc8: {  	_ =	task.clear_ibuf [dreg:s8], $0x2FFFF;
	_ =	strace $0x9FFFFFFF  }
0xc9: {  	(tm) =	ssettm $0x7FFFFFFF  }
tec
execute0_lowered:
.L_overlay_start_1:
0x0: {  	(tag) =	ssettag $0x1  }
0x1: {  	s4 =	rddreg [dreg:$0x0]  }
0x2: {  	s1 =	rddreg [dreg:$0x1]  }
0x3: {  	s10 =	rddreg [dreg:$0x2]  }
0x4: {  	s0 =	rddreg [dreg:$0x3]  }
0x5: {  	s3 =	simm.s32 $0x0;
	s5 =	srdreg.scid;
	s2 =	stileid.u32  }
0x6: {  	s16 =	simm.s32 $0x400;
	s17 =	simm.s32 $0x1480;
	s18 =	simm.s32 $0x3D80  }
0x7: {  	s19 =	simm.s32 $0x5200;
	s20 =	simm.s32 $0x100;
	s21 =	simm.s32 $0x0  }
0x8: {  	[smem:$0x7FF] =	sst s3;
	s5 =	sand.u32 $0x1, s5;
	s6 =	sshll.u32 s2, $0x1  }
0x9: {  	s7 =	sshrl.u32 s2, $0x1;
	s8 =	sadd.s32 $0x1200, s4;
	s11 =	sadd.s32 $0xB600, s4  }
0xa: {  	s15 =	sadd.s32 $0x10, s10;
	_ =	strace $0x80000047;
	s6 =	sor.u32 s5, s6  }
0xb: {  	s7 =	smul.u32 $0xA400, s7;
	s26 =	ssub.s32 $0x2, s5;
	s9 =	sshll.u32 s6, $0x8  }
0xc: {  	s29 =	sshrl.u32 s26, $0x1;
	s12 =	sshllo.u32 s6, $0x1;
	s13 =	smul.u32 $0xA40, s6  }
0xd: {  	s28 =	sand.u32 $0x300, s9;
	s30 =	sshll.u32 s12, $0x7;
	s14 =	ssub.s32 s26, s29  }
0xe: {  	s12 =	smul.u32 $0x520, s12;
	s5 =	sor.u32 s7, s28;
	s31 =	sand.u32 $0x380, s30  }
0xf: {  	s6 =	sadd.s32 s10, s13;
	s5 =	sshrl.u32 s5, $0x3;
	s7 =	sor.u32 s7, s31  }
0x10: {  	s10 =	sadd.s32 s10, s12;
	s4 =	sadd.s32 s8, s5;
	s5 =	sadd.s32 s11, s5  }
0x11: {  	s9 =	sshrl.u32 s7, $0x3;
	s7 =	sadd.s32 s13, s15;
	s13 =	simm.s32 $0x2900  }
0x12: {  	s8 =	sadd.s32 s8, s9;
	s9 =	sadd.s32 s11, s9;
	s11 =	sadd.s32 s12, s15  }
0x13: {  	v0 =	vimm.s32 $0xFFFFFFFF;
	s12 =	smax.u32 s14, $0x1;
	s14 =	simm.s32 $0x1;
	s15 =	simm.s32 $0x80  }
.LBB2_1:
0x14: {  	[tilespmem:s13], [sflag:$0x1] =	stream.linear.gather [hbm4b:s1+s3], $0x1480, $0x38;
	[tilespmem:$0x6680] =	vst v63  }
0x15: {  	_ =	swait.ge [sflag:s14], $0x1480  }
0x16: {  	[sflag:s14] =	ssyncset.done $0x0  }
0x17: {  	[sflag:s14] =	ssyncadd.s32 $0xFFFFEB80  }
0x18: {  	[tilespmem:s3], [sflag:$0x1] =	stream.strided.gather [hbm4b:s4+s15], $0x1480, s16, s15, $0x38;
	[tilespmem:$0x6680] =	vst v63  }
0x19: {  	_ =	swait.ge [sflag:s14], $0x1480  }
0x1a: {  	[sflag:s14] =	ssyncset.done $0x0  }
0x1b: {  	[sflag:s14] =	ssyncadd.s32 $0xFFFFEB80  }
0x1c: {  	[tilespmem:s17], [sflag:$0x1] =	stream.strided.gather [hbm4b:s5+s15], $0x1480, s16, s15, $0x38;
	[tilespmem:$0x6680] =	vst v63  }
0x1d: {  	_ =	swait.ge [sflag:s14], $0x1480  }
0x1e: {  	[sflag:s14] =	ssyncset.done $0x0  }
0x1f: {  	s22 =	simm.s32 $0x0;
	[sflag:s14] =	ssyncadd.s32 $0xFFFFEB80  }
.LBB2_2:
0x20: {  	p0 =	sne.s32 s22, $0x5140  }
.Ltmp0:
0x21: {  	_ = 	snop;
	(pc) =	sbr.rel @p0 .LBB2_2-.Ltmp0, $4  }
0x22: {  	_ = 	snop  }
0x23: {  	s23 =	sshra.s32 s22, $0x2  }
0x24: {  	[tilespmem:s23+$0x3D80] =	vst v0  }
0x25: {  	s22 =	sadd.s32 $0x40, s22;
	[tilespmem:s23+$0x5200] =	vst v0  }
0x26: {  	s23 =	simm.s32 $0x0  }
0x27: {  	s22 =	simm.s32 $0x40;
	v1 =	vld [tilespmem:s23+$0x0]  }
.LBB2_4:
0x28: {  	p0 =	sne.s32 s22, $0x5140;
	_ =	sdelay $0x1  }
0x29: {  	v2 =	vld [tilespmem:s23+$0x1480]  }
0x2a: {  	v3 =	vld [tilespmem:s23+$0x2900];
	_ =	sdelay $0x1  }
.Ltmp1:
0x2b: {  	(pc) =	sbr.rel @p0 .LBB2_4-.Ltmp1, $4  }
0x2c: {  	_ = 	snop  }
0x2d: {  	[tilespmem:v1+s18+$0x0] =	vst.idx.msk $0xffff, v2  }
0x2e: {  	s23 =	sshra.s32 s22, $0x2;
	[tilespmem:v1+s19+$0x0] =	vst.idx.msk $0xffff, v3  }
0x2f: {  	s22 =	sadd.s32 $0x40, s22;
	v1 =	vld [tilespmem:s23+$0x0]  }
0x30: {  	_ =	sdelay $0x2  }
0x31: {  	v2 =	vld [tilespmem:s23+$0x1480]  }
0x32: {  	v3 =	vld [tilespmem:s23+$0x2900];
	_ =	sdelay $0x3  }
0x33: {  	[tilespmem:v1+s18+$0x0] =	vst.idx.msk $0xffff, v2  }
0x34: {  	[tilespmem:v1+s19+$0x0] =	vst.idx.msk $0xffff, v3  }
0x35: {  	[hbm4b:s6+s15] =	stream.strided.scatter [tilespmem:s18], [sflag:$0x1], $0x1480, s20, s15, $0x38;
	[tilespmem:$0x6680] =	vst v63  }
0x36: {  	_ =	swait.ge [sflag:s14], $0x1480  }
0x37: {  	[sflag:s14] =	ssyncset.done $0x0  }
0x38: {  	[sflag:s14] =	ssyncadd.s32 $0xFFFFEB80  }
0x39: {  	[hbm4b:s7+s15] =	stream.strided.scatter [tilespmem:s19], [sflag:$0x1], $0x1480, s20, s15, $0x38;
	[tilespmem:$0x6680] =	vst v63  }
0x3a: {  	_ =	swait.ge [sflag:s14], $0x1480  }
0x3b: {  	[sflag:s14] =	ssyncset.done $0x0  }
0x3c: {  	s22 =	simm.s32 $0x0;
	[sflag:s14] =	ssyncadd.s32 $0xFFFFEB80  }
0x3d: {  	[tilespmem:s22], [sflag:$0x1] =	stream.strided.gather [hbm4b:s8+s15], $0x1480, s16, s15, $0x38;
	[tilespmem:$0x6680] =	vst v63  }
0x3e: {  	_ =	swait.ge [sflag:s14], $0x1480  }
0x3f: {  	[sflag:s14] =	ssyncset.done $0x0  }
0x40: {  	[sflag:s14] =	ssyncadd.s32 $0xFFFFEB80  }
0x41: {  	[tilespmem:s17], [sflag:$0x1] =	stream.strided.gather [hbm4b:s9+s15], $0x1480, s16, s15, $0x38;
	[tilespmem:$0x6680] =	vst v63  }
0x42: {  	_ =	swait.ge [sflag:s14], $0x1480  }
0x43: {  	[sflag:s14] =	ssyncset.done $0x0  }
0x44: {  	s23 =	simm.s32 $0x0;
	s22 =	simm.s32 $0x40;
	[sflag:s14] =	ssyncadd.s32 $0xFFFFEB80  }
.LBB2_6:
0x45: {  	p0 =	sne.s32 s22, $0x5140;
	[tilespmem:s23+$0x3D80] =	vst v0;
	s24 =	smov.u32 s22;
	s22 =	sadd.s32 $0x40, s22  }
.Ltmp2:
0x46: {  	[tilespmem:s23+$0x5200] =	vst v0;
	(pc) =	sbr.rel @p0 .LBB2_6-.Ltmp2, $2  }
0x47: {  	_ =	sdelay $0x2  }
0x48: {  	s23 =	sshra.s32 s24, $0x2  }
0x49: {  	[tilespmem:s23+$0x3D80] =	vst v0  }
0x4a: {  	[tilespmem:s23+$0x5200] =	vst v0;
	s23 =	simm.s32 $0x0  }
0x4b: {  	s22 =	simm.s32 $0x40;
	v1 =	vld [tilespmem:s23+$0x0]  }
.LBB2_8:
0x4c: {  	p0 =	sne.s32 s22, $0x5140;
	_ =	sdelay $0x1  }
0x4d: {  	v2 =	vld [tilespmem:s23+$0x1480]  }
0x4e: {  	v3 =	vld [tilespmem:s23+$0x2900];
	_ =	sdelay $0x1  }
.Ltmp3:
0x4f: {  	(pc) =	sbr.rel @p0 .LBB2_8-.Ltmp3, $4  }
0x50: {  	_ = 	snop  }
0x51: {  	[tilespmem:v1+s18+$0x0] =	vst.idx.msk $0xffff, v2  }
0x52: {  	s23 =	sshra.s32 s22, $0x2;
	[tilespmem:v1+s19+$0x0] =	vst.idx.msk $0xffff, v3  }
0x53: {  	s22 =	sadd.s32 $0x40, s22;
	v1 =	vld [tilespmem:s23+$0x0]  }
0x54: {  	_ =	sdelay $0x2  }
0x55: {  	v2 =	vld [tilespmem:s23+$0x1480]  }
0x56: {  	v3 =	vld [tilespmem:s23+$0x2900];
	_ =	sdelay $0x3  }
0x57: {  	[tilespmem:v1+s18+$0x0] =	vst.idx.msk $0xffff, v2  }
0x58: {  	[tilespmem:v1+s19+$0x0] =	vst.idx.msk $0xffff, v3  }
0x59: {  	[hbm4b:s10+s15] =	stream.strided.scatter [tilespmem:s18], [sflag:$0x1], $0x1480, s20, s15, $0x38;
	[tilespmem:$0x6680] =	vst v63  }
0x5a: {  	s21 =	sadd.s32 $0x1, s21;
	_ =	swait.ge [sflag:s14], $0x1480  }
0x5b: {  	p0 =	sne.s32 s21, s12;
	[sflag:s14] =	ssyncset.done $0x0  }
.Ltmp4:
0x5c: {  	[sflag:s14] =	ssyncadd.s32 $0xFFFFEB80;
	(pc) =	sbr.rel @p0 .LBB2_1-.Ltmp4, $4  }
0x5d: {  	[hbm4b:s11+s15] =	stream.strided.scatter [tilespmem:s19], [sflag:$0x1], $0x1480, s20, s15, $0x38;
	[tilespmem:$0x6680] =	vst v63  }
0x5e: {  	_ =	swait.ge [sflag:s14], $0x1480  }
0x5f: {  	[sflag:s14] =	ssyncset.done $0x0  }
0x60: {  	[sflag:s14] =	ssyncadd.s32 $0xFFFFEB80  }
0x61: {  	_ =	sfence.sel $0x180000  }
0x62: {  	[bflag:$0x0] =	sbarrier.arrive $0xFFFF  }
0x63: {  	p0 =	sne.s32 s2, $0x0;
	_ =	strace $0x90000047  }
0x64: {  	s0 =	sadd.s32 @!p0 $0x100000, s0;
	[bflag:$0x2] =	sbarrier.arrive $0xFFFF  }
0x65: {  	[sflag:s0] =	ssyncadd.tile.s32 @!p0 $0x1;
	_ =	shalt  }
.Lfunc_end2:
_tile_overlayer_lowered:
.L_overlay_start_2:
0x66: {  	(tag) =	ssettag $0x2  }
0x67: {  	s0 =	rddreg [dreg:$0x0];
	s2 =	stileid.u32  }
0x68: {  	s1 =	rddreg [dreg:$0x1];
	p0 =	sne.s32 s2, $0x0  }
0x69: {  	s3 =	rddreg [dreg:$0x2];
	[bflag:$0x3] =	sbarrier.arrive $0xFFFF;
	s2 =	simm.s32 @!p0 $0x1C01  }
0x6a: {  	[timem:s3], [sflag:s2] =	dma.local @!p0 [hbm:s0], s1  }
0x6b: {  	s0 =	simm.s32 @!p0 $0x1  }
0x6c: {  	_ =	swait.ge @!p0 [sflag:s0], s1  }
0x6d: {  	s1 =	ssub.s32 @!p0 $0x0, s1;
	[sflag:s0] =	ssyncset.done @!p0 $0x0  }
0x6e: {  	[sflag:s0] =	ssyncadd.s32 @!p0 s1  }
0x6f: {  	[bflag:$0x3] =	sbarrier.arrive $0xFFFF  }
0x70: {  	_ =	shalt  }

</sc_bundles>
